<compile_context>
chip_gen: v7x
topology: tpu7x:2x2x1
jax: 0.10.2.dev20260603
libtpu: 0.0.44.dev20260713+nightly
codegen_flags: <defaults>
</compile_context>

<pallas_src>
import functools

import jax
import jax.numpy as jnp
from jax import lax
from jax.experimental import pallas as pl
from jax.experimental.pallas import tpu as pltpu
from jax.experimental.pallas import tpu_sc as plsc

NC = 2
NS = 16
NW = NC * NS
CHUNK = 128
DEG_LANES = 16
NPAD = 10240
NBUF = 4


def _vector_mesh():
    return plsc.VectorSubcoreMesh(core_axis_name="c", subcore_axis_name="s")


def _sc_degree(dst, zeros_deg):
    e = dst.shape[0]
    n = zeros_deg.shape[0]
    t_chunks = e // (NW * CHUNK)
    rpt = n // NS

    @functools.partial(
        pl.kernel,
        out_type=jax.ShapeDtypeStruct((NC, n, DEG_LANES), jnp.float32),
        mesh=_vector_mesh(),
        scratch_types=[
            pltpu.VMEM((NBUF, CHUNK), jnp.int32),
            pltpu.VMEM((CHUNK, DEG_LANES), jnp.float32),
            pltpu.VMEM_SHARED((n, DEG_LANES), jnp.float32),
        ] + [pltpu.SemaphoreType.DMA] * (2 * NBUF),
    )
    def k(dst_hbm, zeros_hbm, out_hbm, idxv, ones_v, acc_sh, *sems):
        del sems
        core = lax.axis_index("c")
        sid = lax.axis_index("s")
        wid = sid * NC + core
        r0 = sid * rpt
        cbase = wid * t_chunks

        @pl.loop(0, CHUNK)
        def _(r):
            ones_v[r, :] = jnp.ones((DEG_LANES,), jnp.float32)

        pltpu.sync_copy(zeros_hbm.at[pl.ds(r0, rpt)], acc_sh.at[pl.ds(r0, rpt)])
        plsc.subcore_barrier()

        @pl.loop(0, t_chunks)
        def _(t):
            pltpu.sync_copy(dst_hbm.at[pl.ds((cbase + t) * CHUNK, CHUNK)],
                            idxv.at[0])
            pltpu.sync_copy(ones_v, acc_sh.at[idxv.at[0]], add=True)

        plsc.subcore_barrier()
        pltpu.sync_copy(acc_sh.at[pl.ds(r0, rpt)],
                        out_hbm.at[core, pl.ds(r0, rpt)])

    return k(dst, zeros_deg)


SKEW_A = 113
SKEW_B = 45


def _sc_aggregate(g, src, dst, zeros_nd):
    d = g.shape[1]
    n = zeros_nd.shape[0]
    e = src.shape[0]
    rpt = n // NS
    assert e // CHUNK == NS * (SKEW_A + SKEW_B)

    @functools.partial(
        pl.kernel,
        out_type=jax.ShapeDtypeStruct((NC, n, d), jnp.float32),
        mesh=_vector_mesh(),
        scratch_types=[
            pltpu.VMEM((2, CHUNK), jnp.int32),
            pltpu.VMEM((2, CHUNK), jnp.int32),
            pltpu.VMEM((2, CHUNK, d), jnp.float32),
            pltpu.VMEM_SHARED((n, d), jnp.float32),
            pltpu.SemaphoreType.DMA,
        ],
    )
    def k(g_hbm, src_hbm, dst_hbm, zeros_hbm, out_hbm,
          srcv, dstv, rows, acc_sh, gsem):
        core = lax.axis_index("c")
        sid = lax.axis_index("s")
        r0 = sid * rpt
        my_chunks = SKEW_A + core * (SKEW_B - SKEW_A)
        cbase = sid * SKEW_A + core * (NS * SKEW_A + sid * (SKEW_B - SKEW_A))

        pltpu.sync_copy(zeros_hbm.at[pl.ds(r0, rpt)], acc_sh.at[pl.ds(r0, rpt)])
        plsc.subcore_barrier()

        @pl.loop(0, my_chunks)
        def _(t):
            base = (cbase + t) * CHUNK
            pltpu.sync_copy(src_hbm.at[pl.ds(base, CHUNK)], srcv.at[0])
            pltpu.sync_copy(dst_hbm.at[pl.ds(base, CHUNK)], dstv.at[0])
            pltpu.async_copy(g_hbm.at[srcv.at[0]], rows.at[0], gsem).wait()
            pltpu.sync_copy(rows.at[0], acc_sh.at[dstv.at[0]], add=True)

        plsc.subcore_barrier()
        pltpu.sync_copy(acc_sh.at[pl.ds(r0, rpt)],
                        out_hbm.at[core, pl.ds(r0, rpt)])

    return k(g, src, dst, zeros_nd)


_BM = 2000


def _tc_matmul(x, w):
    n, d = x.shape

    def body(x_ref, w_ref, o_ref):
        o_ref[...] = lax.dot_general(
            x_ref[...], w_ref[...], (((1,), (1,)), ((), ())),
            preferred_element_type=jnp.float32)

    return pl.pallas_call(
        body,
        grid=(n // _BM,),
        in_specs=[pl.BlockSpec((_BM, d), lambda i: (i, 0)),
                  pl.BlockSpec((d, d), lambda i: (0, 0))],
        out_specs=pl.BlockSpec((_BM, d), lambda i: (i, 0)),
        out_shape=jax.ShapeDtypeStruct((n, d), jnp.float32),
    )(x, w)


def _dinv_from(dg_ref):
    deg = dg_ref[0, :, 0] + dg_ref[1, :, 0] + 1.0
    return lax.rsqrt(deg)


def _tc_scale(h, degp):
    n, d = h.shape

    def body(h_ref, dg_ref, o_ref):
        dinv = _dinv_from(dg_ref)
        o_ref[...] = h_ref[...] * dinv[:, None]

    return pl.pallas_call(
        body,
        grid=(n // _BM,),
        in_specs=[pl.BlockSpec((_BM, d), lambda i: (i, 0)),
                  pl.BlockSpec((NC, _BM, DEG_LANES), lambda i: (0, i, 0))],
        out_specs=pl.BlockSpec((_BM, d), lambda i: (i, 0)),
        out_shape=jax.ShapeDtypeStruct((n, d), jnp.float32),
    )(h, degp)


def _tc_mid(g1, accp, degp, w2, b1):
    n, d = g1.shape

    def body(g_ref, a_ref, dg_ref, w_ref, b_ref, o_ref):
        dinv = _dinv_from(dg_ref)
        s = (a_ref[0] + a_ref[1] + g_ref[...]) * dinv[:, None] + b_ref[...]
        h1 = jnp.maximum(s, 0.0)
        o_ref[...] = lax.dot_general(
            h1, w_ref[...], (((1,), (1,)), ((), ())),
            preferred_element_type=jnp.float32) * dinv[:, None]

    return pl.pallas_call(
        body,
        grid=(n // _BM,),
        in_specs=[pl.BlockSpec((_BM, d), lambda i: (i, 0)),
                  pl.BlockSpec((NC, _BM, d), lambda i: (0, i, 0)),
                  pl.BlockSpec((NC, _BM, DEG_LANES), lambda i: (0, i, 0)),
                  pl.BlockSpec((d, d), lambda i: (0, 0)),
                  pl.BlockSpec((1, d), lambda i: (0, 0))],
        out_specs=pl.BlockSpec((_BM, d), lambda i: (i, 0)),
        out_shape=jax.ShapeDtypeStruct((n, d), jnp.float32),
    )(g1, accp, degp, w2, b1)


def _tc_final(g2, accp, degp, b2):
    n, d = g2.shape

    def body(g_ref, a_ref, dg_ref, b_ref, o_ref):
        dinv = _dinv_from(dg_ref)
        s = (a_ref[0] + a_ref[1] + g_ref[...]) * dinv[:, None] + b_ref[...]
        o_ref[...] = jax.nn.sigmoid(s)

    return pl.pallas_call(
        body,
        grid=(n // _BM,),
        in_specs=[pl.BlockSpec((_BM, d), lambda i: (i, 0)),
                  pl.BlockSpec((NC, _BM, d), lambda i: (0, i, 0)),
                  pl.BlockSpec((NC, _BM, DEG_LANES), lambda i: (0, i, 0)),
                  pl.BlockSpec((1, d), lambda i: (0, 0))],
        out_specs=pl.BlockSpec((_BM, d), lambda i: (i, 0)),
        out_shape=jax.ShapeDtypeStruct((n, d), jnp.float32),
    )(g2, accp, degp, b2)


def kernel(x, edge_index, embed, W1, b1, W2, b2):
    n, d = embed.shape
    ei = edge_index.astype(jnp.int32)
    e = ei.shape[1]
    e_pad = ((e + NW * CHUNK - 1) // (NW * CHUNK)) * (NW * CHUNK)
    src = jnp.concatenate([ei[0], jnp.zeros((e_pad - e,), jnp.int32)])
    dst = jnp.concatenate([ei[1], jnp.full((e_pad - e,), NPAD - 8, jnp.int32)])
    zeros_nd = jnp.zeros((NPAD, d), jnp.float32)
    zeros_deg = jnp.zeros((NPAD, DEG_LANES), jnp.float32)

    degp = _sc_degree(dst, zeros_deg)
    h_lin = _tc_matmul(embed, W1)
    g1 = _tc_scale(h_lin, degp)
    acc1 = _sc_aggregate(g1, src, dst, zeros_nd)
    g2 = _tc_mid(g1, acc1, degp, W2, b1.reshape(1, d))
    acc2 = _sc_aggregate(g2, src, dst, zeros_nd)
    return _tc_final(g2, acc2, degp, b2.reshape(1, d))

# --- scband reference (transcript-rebuilt; emitter-appended) ---
"""Pipeline reference for scband-gnn-learned-embeddings-66357244723794 (READ-ONLY COPY).

The authoritative reference and input builder live on the scoring server;
editing this copy changes nothing except your own understanding.
"""

import jax, jax.numpy as jnp
import numpy as np

N = 10000
E = 320000
D = 128


def setup_inputs(seed: int = 0) -> dict:
    key = jax.random.key(seed)
    ks = jax.random.split(key, 8)
    x = jax.random.normal(ks[0], (N, D), dtype=jnp.float32)
    edge_index = jax.random.randint(ks[1], (2, E), 0, N)
    # learned params per init_kwargs: embedding(10000,128), two GCN layers 128->128
    embed = jax.random.normal(ks[2], (N, D), dtype=jnp.float32) * 0.02
    W1 = jax.random.normal(ks[3], (128, 128), dtype=jnp.float32) * 0.05
    b1 = jnp.zeros((128,), dtype=jnp.float32)
    W2 = jax.random.normal(ks[4], (128, 128), dtype=jnp.float32) * 0.05
    b2 = jnp.zeros((128,), dtype=jnp.float32)
    return {"x": x, "edge_index": edge_index, "embed": embed, "W1": W1, "b1": b1, "W2": W2, "b2": b2}


def gcn_layer(x, edge_index, W, b):
    # Faithful PyG GCNConv: add self-loops, symmetric deg^{-1/2} normalization,
    # linear transform (weight shape [out, in], no bias in lin), scatter-add aggregate, add bias.
    n = x.shape[0]
    src = edge_index[0]
    dst = edge_index[1]
    loop = jnp.arange(n, dtype=src.dtype)
    src = jnp.concatenate([src, loop])
    dst = jnp.concatenate([dst, loop])
    deg = jnp.zeros((n,), dtype=x.dtype).at[dst].add(1.0)
    dinv = jnp.where(deg > 0, jax.lax.rsqrt(jnp.maximum(deg, 1e-12)), 0.0)
    norm = dinv[src] * dinv[dst]
    h = x @ W.T
    msg = h[src] * norm[:, None]
    out = jnp.zeros((n, W.shape[0]), dtype=x.dtype).at[dst].add(msg)
    return out + b


def reference(x, edge_index, embed, W1, b1, W2, b2):
    # forward: x is replaced by learned embeddings indexed by arange(N)
    idx = jnp.arange(x.shape[0])
    h = jnp.take(embed, idx, axis=0)
    h = gcn_layer(h, edge_index, W1, b1)
    h = jax.nn.relu(h)
    # dropout skipped (eval mode)
    h = gcn_layer(h, edge_index, W2, b2)
    return jax.nn.sigmoid(h)

if __name__ == "__main__":
    import jax
    _d = setup_inputs()
    print(jax.jit(kernel)(*tuple(_d.values())))

</pallas_src>

<mosaic_0001>
#map = affine_map<(d0, d1) -> (0, 0)>
#map1 = affine_map<(d0, d1) -> (0)>
#map2 = affine_map<(d0, d1) -> (0, 0, 0)>
module attributes {stable_mosaic.version = 14 : i64} {
  func.func @k(%arg0: i32, %arg1: i32, %arg2: memref<10000x128xf32, #tpu.memory_space<hbm>>, %arg3: memref<323584xi32, #tpu.memory_space<hbm>>, %arg4: memref<323584xi32, #tpu.memory_space<hbm>>, %arg5: memref<10240x128xf32, #tpu.memory_space<hbm>>, %arg6: memref<2x10240x128xf32, #tpu.memory_space<hbm>>, %arg7: memref<2x128xi32, #tpu.memory_space<vmem>>, %arg8: memref<2x128xi32, #tpu.memory_space<vmem>>, %arg9: memref<2x128x128xf32, #tpu.memory_space<vmem>>, %arg10: memref<10240x128xf32, #tpu.memory_space<vmem_shared>>, %arg11: memref<!tpu.dma_semaphore, #tpu.memory_space<semaphore_mem>>) attributes {dimension_semantics = [#tpu.dimension_semantics<core_parallel>, #tpu.dimension_semantics<subcore_parallel>], iteration_bounds = array<i64: 2, 16>, scalar_prefetch = 0 : i64, scratch_operands = 5 : i64, tpu.core_type = #tpu.core_type<sc_vector_subcore>, window_params = [{transform_indices = #map}, {transform_indices = #map1}, {transform_indices = #map1}, {transform_indices = #map}, {transform_indices = #map2}]} {
    %mul3A = arith.constant 640 : i32
    %mul3A_0 = arith.muli %arg1, %mul3A : i32
    %mul3A_1 = arith.constant -68 : i32
    %mul3A_2 = arith.muli %arg0, %mul3A_1 : i32
    %add3A = arith.constant 113 : i32
    %add3A_3 = arith.addi %add3A, %mul3A_2 : i32
    %mul3A_4 = arith.constant 113 : i32
    %mul3A_5 = arith.muli %arg1, %mul3A_4 : i32
    %mul3A_6 = arith.constant -68 : i32
    %mul3A_7 = arith.muli %arg1, %mul3A_6 : i32
    %add3A_8 = arith.constant 1808 : i32
    %add3A_9 = arith.addi %add3A_8, %mul3A_7 : i32
    %mul3A_10 = arith.muli %arg0, %add3A_9 : i32
    %add3A_11 = arith.addi %mul3A_5, %mul3A_10 : i32
    "tpu.region"() ({
      %run_scoped3A = tpu.sem_alloc : memref<!tpu.dma_semaphore, #tpu.memory_space<semaphore_mem>>
      %dma_start3A = arith.constant 0 : i32
      %dma_start3A_29 = tpu.memref_slice %arg10[%mul3A_0, %dma_start3A] : memref<10240x128xf32, #tpu.memory_space<vmem_shared>> -> memref<640x128xf32, #tpu.memory_space<vmem_shared>>
      %dma_start3A_30 = arith.constant 0 : i32
      %dma_start3A_31 = tpu.memref_slice %arg5[%mul3A_0, %dma_start3A_30] : memref<10240x128xf32, #tpu.memory_space<hbm>> -> memref<640x128xf32, #tpu.memory_space<hbm>>
      tpu.enqueue_dma source(%dma_start3A_31 : memref<640x128xf32, #tpu.memory_space<hbm>>) target(%dma_start3A_29 : memref<640x128xf32, #tpu.memory_space<vmem_shared>>) target_semaphore(%run_scoped3A : memref<!tpu.dma_semaphore, #tpu.memory_space<semaphore_mem>>)
      %dma_wait3A = arith.constant 0 : i32
      %dma_wait3A_32 = tpu.memref_slice %arg10[%mul3A_0, %dma_wait3A] : memref<10240x128xf32, #tpu.memory_space<vmem_shared>> -> memref<640x128xf32, #tpu.memory_space<vmem_shared>>
      %dma_wait3A_33 = arith.constant 0 : i32
      %dma_wait3A_34 = tpu.memref_slice %arg5[%mul3A_0, %dma_wait3A_33] : memref<10240x128xf32, #tpu.memory_space<hbm>> -> memref<640x128xf32, #tpu.memory_space<hbm>>
      tpu.wait_dma2 semaphore(%run_scoped3A : memref<!tpu.dma_semaphore, #tpu.memory_space<semaphore_mem>>) src(%dma_wait3A_34 : memref<640x128xf32, #tpu.memory_space<hbm>>) dst(%dma_wait3A_32 : memref<640x128xf32, #tpu.memory_space<vmem_shared>>)
      tpu.yield
    }) : () -> ()
    %barrier3A = arith.constant 0 : index
    tpu.barrier barrier_id(%barrier3A)
    %sub3A = arith.constant 0 : i32
    %sub3A_12 = arith.subi %add3A_3, %sub3A : i32
    %sub3A_13 = arith.constant 1 : i32
    %sub3A_14 = arith.constant 1 : i32
    %sub3A_15 = arith.subi %sub3A_13, %sub3A_14 : i32
    %add3A_16 = arith.addi %sub3A_12, %sub3A_15 : i32
    %div3A = arith.constant 1 : i32
    %div3A_17 = arith.divsi %add3A_16, %div3A : i32
    %while3A = arith.constant 1 : i32
    %while3A_18 = arith.constant 0 : i32
    %while3A_19 = arith.constant 0 : i32
    %while3A_20 = arith.subi %div3A_17, %while3A_19 : i32
    %while3A_21 = arith.addi %while3A_19, %while3A_20 : i32
    %while3A_22 = arith.constant 1 : i32
    %while3A_23 = arith.divsi %while3A_20, %while3A_22 : i32
    %while3A_24 = arith.muli %while3A_23, %while3A_22 : i32
    %while3A_25 = arith.addi %while3A_19, %while3A_24 : i32
    %while3A_26 = arith.constant 1 : i32
    scf.for %while3A_29 = %while3A_19 to %while3A_25 step %while3A_26  : i32 {
      %mul3A_30 = arith.muli %while3A_29, %while3A : i32
      %add3A_31 = arith.addi %while3A_18, %mul3A_30 : i32
      %add3A_32 = arith.addi %add3A_11, %add3A_31 : i32
      %mul3A_33 = arith.constant 128 : i32
      %mul3A_34 = arith.muli %add3A_32, %mul3A_33 : i32
      %run_scoped3A = arith.constant 0 : i32
      "tpu.region"() ({
        %run_scoped3A_60 = tpu.sem_alloc : memref<!tpu.dma_semaphore, #tpu.memory_space<semaphore_mem>>
        %dma_start3A_61 = arith.constant 0 : i32
        %dma_start3A_62 = tpu.memref_slice %arg7[%run_scoped3A, %dma_start3A_61] : memref<2x128xi32, #tpu.memory_space<vmem>> -> memref<1x128xi32, #tpu.memory_space<vmem>>
        %dma_start3A_63 = tpu.memref_squeeze %dma_start3A_62 : memref<1x128xi32, #tpu.memory_space<vmem>> -> memref<128xi32, #tpu.memory_space<vmem>>
        %dma_start3A_64 = tpu.memref_slice %arg3[%mul3A_34] : memref<323584xi32, #tpu.memory_space<hbm>> -> memref<128xi32, #tpu.memory_space<hbm>>
        %dma_start3A_65 = arith.constant 0 : i32
        %dma_start3A_66 = tpu.memref_slice %arg7[%run_scoped3A, %dma_start3A_65] : memref<2x128xi32, #tpu.memory_space<vmem>> -> memref<1x128xi32, #tpu.memory_space<vmem>>
        %dma_start3A_67 = tpu.memref_squeeze %dma_start3A_66 : memref<1x128xi32, #tpu.memory_space<vmem>> -> memref<128xi32, #tpu.memory_space<vmem>>
        %dma_start3A_68 = tpu.memref_slice %arg3[%mul3A_34] : memref<323584xi32, #tpu.memory_space<hbm>> -> memref<128xi32, #tpu.memory_space<hbm>>
        tpu.enqueue_dma source(%dma_start3A_68 : memref<128xi32, #tpu.memory_space<hbm>>) target(%dma_start3A_67 : memref<128xi32, #tpu.memory_space<vmem>>) target_semaphore(%run_scoped3A_60 : memref<!tpu.dma_semaphore, #tpu.memory_space<semaphore_mem>>)
        %dma_wait3A_69 = arith.constant 0 : i32
        %dma_wait3A_70 = tpu.memref_slice %arg7[%run_scoped3A, %dma_wait3A_69] : memref<2x128xi32, #tpu.memory_space<vmem>> -> memref<1x128xi32, #tpu.memory_space<vmem>>
        %dma_wait3A_71 = tpu.memref_squeeze %dma_wait3A_70 : memref<1x128xi32, #tpu.memory_space<vmem>> -> memref<128xi32, #tpu.memory_space<vmem>>
        %dma_wait3A_72 = tpu.memref_slice %arg3[%mul3A_34] : memref<323584xi32, #tpu.memory_space<hbm>> -> memref<128xi32, #tpu.memory_space<hbm>>
        %dma_wait3A_73 = arith.constant 0 : i32
        %dma_wait3A_74 = tpu.memref_slice %arg7[%run_scoped3A, %dma_wait3A_73] : memref<2x128xi32, #tpu.memory_space<vmem>> -> memref<1x128xi32, #tpu.memory_space<vmem>>
        %dma_wait3A_75 = tpu.memref_squeeze %dma_wait3A_74 : memref<1x128xi32, #tpu.memory_space<vmem>> -> memref<128xi32, #tpu.memory_space<vmem>>
        %dma_wait3A_76 = tpu.memref_slice %arg3[%mul3A_34] : memref<323584xi32, #tpu.memory_space<hbm>> -> memref<128xi32, #tpu.memory_space<hbm>>
        tpu.wait_dma2 semaphore(%run_scoped3A_60 : memref<!tpu.dma_semaphore, #tpu.memory_space<semaphore_mem>>) src(%dma_wait3A_76 : memref<128xi32, #tpu.memory_space<hbm>>) dst(%dma_wait3A_75 : memref<128xi32, #tpu.memory_space<vmem>>)
        tpu.yield
      }) : () -> ()
      %run_scoped3A_35 = arith.constant 0 : i32
      "tpu.region"() ({
        %run_scoped3A_60 = tpu.sem_alloc : memref<!tpu.dma_semaphore, #tpu.memory_space<semaphore_mem>>
        %dma_start3A_61 = arith.constant 0 : i32
        %dma_start3A_62 = tpu.memref_slice %arg8[%run_scoped3A_35, %dma_start3A_61] : memref<2x128xi32, #tpu.memory_space<vmem>> -> memref<1x128xi32, #tpu.memory_space<vmem>>
        %dma_start3A_63 = tpu.memref_squeeze %dma_start3A_62 : memref<1x128xi32, #tpu.memory_space<vmem>> -> memref<128xi32, #tpu.memory_space<vmem>>
        %dma_start3A_64 = tpu.memref_slice %arg4[%mul3A_34] : memref<323584xi32, #tpu.memory_space<hbm>> -> memref<128xi32, #tpu.memory_space<hbm>>
        %dma_start3A_65 = arith.constant 0 : i32
        %dma_start3A_66 = tpu.memref_slice %arg8[%run_scoped3A_35, %dma_start3A_65] : memref<2x128xi32, #tpu.memory_space<vmem>> -> memref<1x128xi32, #tpu.memory_space<vmem>>
        %dma_start3A_67 = tpu.memref_squeeze %dma_start3A_66 : memref<1x128xi32, #tpu.memory_space<vmem>> -> memref<128xi32, #tpu.memory_space<vmem>>
        %dma_start3A_68 = tpu.memref_slice %arg4[%mul3A_34] : memref<323584xi32, #tpu.memory_space<hbm>> -> memref<128xi32, #tpu.memory_space<hbm>>
        tpu.enqueue_dma source(%dma_start3A_68 : memref<128xi32, #tpu.memory_space<hbm>>) target(%dma_start3A_67 : memref<128xi32, #tpu.memory_space<vmem>>) target_semaphore(%run_scoped3A_60 : memref<!tpu.dma_semaphore, #tpu.memory_space<semaphore_mem>>)
        %dma_wait3A_69 = arith.constant 0 : i32
        %dma_wait3A_70 = tpu.memref_slice %arg8[%run_scoped3A_35, %dma_wait3A_69] : memref<2x128xi32, #tpu.memory_space<vmem>> -> memref<1x128xi32, #tpu.memory_space<vmem>>
        %dma_wait3A_71 = tpu.memref_squeeze %dma_wait3A_70 : memref<1x128xi32, #tpu.memory_space<vmem>> -> memref<128xi32, #tpu.memory_space<vmem>>
        %dma_wait3A_72 = tpu.memref_slice %arg4[%mul3A_34] : memref<323584xi32, #tpu.memory_space<hbm>> -> memref<128xi32, #tpu.memory_space<hbm>>
        %dma_wait3A_73 = arith.constant 0 : i32
        %dma_wait3A_74 = tpu.memref_slice %arg8[%run_scoped3A_35, %dma_wait3A_73] : memref<2x128xi32, #tpu.memory_space<vmem>> -> memref<1x128xi32, #tpu.memory_space<vmem>>
        %dma_wait3A_75 = tpu.memref_squeeze %dma_wait3A_74 : memref<1x128xi32, #tpu.memory_space<vmem>> -> memref<128xi32, #tpu.memory_space<vmem>>
        %dma_wait3A_76 = tpu.memref_slice %arg4[%mul3A_34] : memref<323584xi32, #tpu.memory_space<hbm>> -> memref<128xi32, #tpu.memory_space<hbm>>
        tpu.wait_dma2 semaphore(%run_scoped3A_60 : memref<!tpu.dma_semaphore, #tpu.memory_space<semaphore_mem>>) src(%dma_wait3A_76 : memref<128xi32, #tpu.memory_space<hbm>>) dst(%dma_wait3A_75 : memref<128xi32, #tpu.memory_space<vmem>>)
        tpu.yield
      }) : () -> ()
      %dma_start3A = arith.constant 0 : i32
      %dma_start3A_36 = arith.constant 0 : i32
      %dma_start3A_37 = arith.constant 0 : i32
      %dma_start3A_38 = arith.constant 0 : i32
      %dma_start3A_39 = tpu.memref_slice %arg9[%dma_start3A_36, %dma_start3A_37, %dma_start3A_38] : memref<2x128x128xf32, #tpu.memory_space<vmem>> -> memref<1x128x128xf32, #tpu.memory_space<vmem>>
      %dma_start3A_40 = tpu.memref_squeeze %dma_start3A_39 : memref<1x128x128xf32, #tpu.memory_space<vmem>> -> memref<128x128xf32, #tpu.memory_space<vmem>>
      %dma_start3A_41 = arith.constant 0 : i32
      %dma_start3A_42 = tpu.memref_slice %arg7[%dma_start3A, %dma_start3A_41] : memref<2x128xi32, #tpu.memory_space<vmem>> -> memref<1x128xi32, #tpu.memory_space<vmem>>
      %dma_start3A_43 = tpu.memref_squeeze %dma_start3A_42 : memref<1x128xi32, #tpu.memory_space<vmem>> -> memref<128xi32, #tpu.memory_space<vmem>>
      %dma_start3A_44 = arith.constant 0 : i32
      %dma_start3A_45 = arith.constant 0 : i32
      %dma_start3A_46 = tpu.memref_slice %arg2[%dma_start3A_44, %dma_start3A_45] : memref<10000x128xf32, #tpu.memory_space<hbm>> -> memref<10000x128xf32, #tpu.memory_space<hbm>>
      tpu.enqueue_indirect_dma source(%dma_start3A_46 : memref<10000x128xf32, #tpu.memory_space<hbm>>) target(%dma_start3A_40 : memref<128x128xf32, #tpu.memory_space<vmem>>) offsets(%dma_start3A_43 : memref<128xi32, #tpu.memory_space<vmem>>) semaphore(%arg11 : memref<!tpu.dma_semaphore, #tpu.memory_space<semaphore_mem>>)
      %dma_wait3A = arith.constant 0 : i32
      %dma_wait3A_47 = arith.constant 0 : i32
      %dma_wait3A_48 = arith.constant 0 : i32
      %dma_wait3A_49 = arith.constant 0 : i32
      %dma_wait3A_50 = tpu.memref_slice %arg9[%dma_wait3A_47, %dma_wait3A_48, %dma_wait3A_49] : memref<2x128x128xf32, #tpu.memory_space<vmem>> -> memref<1x128x128xf32, #tpu.memory_space<vmem>>
      %dma_wait3A_51 = tpu.memref_squeeze %dma_wait3A_50 : memref<1x128x128xf32, #tpu.memory_space<vmem>> -> memref<128x128xf32, #tpu.memory_space<vmem>>
      %dma_wait3A_52 = arith.constant 0 : i32
      %dma_wait3A_53 = tpu.memref_slice %arg7[%dma_wait3A, %dma_wait3A_52] : memref<2x128xi32, #tpu.memory_space<vmem>> -> memref<1x128xi32, #tpu.memory_space<vmem>>
      %dma_wait3A_54 = tpu.memref_squeeze %dma_wait3A_53 : memref<1x128xi32, #tpu.memory_space<vmem>> -> memref<128xi32, #tpu.memory_space<vmem>>
      %dma_wait3A_55 = arith.constant 0 : i32
      %dma_wait3A_56 = arith.constant 0 : i32
      %dma_wait3A_57 = tpu.memref_slice %arg2[%dma_wait3A_55, %dma_wait3A_56] : memref<10000x128xf32, #tpu.memory_space<hbm>> -> memref<10000x128xf32, #tpu.memory_space<hbm>>
      tpu.wait_indirect_dma semaphore(%arg11 : memref<!tpu.dma_semaphore, #tpu.memory_space<semaphore_mem>>) src(%dma_wait3A_57 : memref<10000x128xf32, #tpu.memory_space<hbm>>) dst(%dma_wait3A_51 : memref<128x128xf32, #tpu.memory_space<vmem>>)
      %run_scoped3A_58 = arith.constant 0 : i32
      %run_scoped3A_59 = arith.constant 0 : i32
      "tpu.region"() ({
        %run_scoped3A_60 = tpu.sem_alloc : memref<!tpu.dma_semaphore, #tpu.memory_space<semaphore_mem>>
        %dma_start3A_61 = arith.constant 0 : i32
        %dma_start3A_62 = arith.constant 0 : i32
        %dma_start3A_63 = tpu.memref_slice %arg9[%run_scoped3A_58, %dma_start3A_61, %dma_start3A_62] : memref<2x128x128xf32, #tpu.memory_space<vmem>> -> memref<1x128x128xf32, #tpu.memory_space<vmem>>
        %dma_start3A_64 = tpu.memref_squeeze %dma_start3A_63 : memref<1x128x128xf32, #tpu.memory_space<vmem>> -> memref<128x128xf32, #tpu.memory_space<vmem>>
        %dma_start3A_65 = arith.constant 0 : i32
        %dma_start3A_66 = tpu.memref_slice %arg8[%run_scoped3A_59, %dma_start3A_65] : memref<2x128xi32, #tpu.memory_space<vmem>> -> memref<1x128xi32, #tpu.memory_space<vmem>>
        %dma_start3A_67 = tpu.memref_squeeze %dma_start3A_66 : memref<1x128xi32, #tpu.memory_space<vmem>> -> memref<128xi32, #tpu.memory_space<vmem>>
        %dma_start3A_68 = arith.constant 0 : i32
        %dma_start3A_69 = arith.constant 0 : i32
        %dma_start3A_70 = tpu.memref_slice %arg10[%dma_start3A_68, %dma_start3A_69] : memref<10240x128xf32, #tpu.memory_space<vmem_shared>> -> memref<10240x128xf32, #tpu.memory_space<vmem_shared>>
        tpu.enqueue_indirect_dma source(%dma_start3A_64 : memref<128x128xf32, #tpu.memory_space<vmem>>) target(%dma_start3A_70 : memref<10240x128xf32, #tpu.memory_space<vmem_shared>>) offsets(%dma_start3A_67 : memref<128xi32, #tpu.memory_space<vmem>>) semaphore(%run_scoped3A_60 : memref<!tpu.dma_semaphore, #tpu.memory_space<semaphore_mem>>) {add = true}
        %dma_wait3A_71 = arith.constant 0 : i32
        %dma_wait3A_72 = arith.constant 0 : i32
        %dma_wait3A_73 = tpu.memref_slice %arg9[%run_scoped3A_58, %dma_wait3A_71, %dma_wait3A_72] : memref<2x128x128xf32, #tpu.memory_space<vmem>> -> memref<1x128x128xf32, #tpu.memory_space<vmem>>
        %dma_wait3A_74 = tpu.memref_squeeze %dma_wait3A_73 : memref<1x128x128xf32, #tpu.memory_space<vmem>> -> memref<128x128xf32, #tpu.memory_space<vmem>>
        %dma_wait3A_75 = arith.constant 0 : i32
        %dma_wait3A_76 = tpu.memref_slice %arg8[%run_scoped3A_59, %dma_wait3A_75] : memref<2x128xi32, #tpu.memory_space<vmem>> -> memref<1x128xi32, #tpu.memory_space<vmem>>
        %dma_wait3A_77 = tpu.memref_squeeze %dma_wait3A_76 : memref<1x128xi32, #tpu.memory_space<vmem>> -> memref<128xi32, #tpu.memory_space<vmem>>
        %dma_wait3A_78 = arith.constant 0 : i32
        %dma_wait3A_79 = arith.constant 0 : i32
        %dma_wait3A_80 = tpu.memref_slice %arg10[%dma_wait3A_78, %dma_wait3A_79] : memref<10240x128xf32, #tpu.memory_space<vmem_shared>> -> memref<10240x128xf32, #tpu.memory_space<vmem_shared>>
        tpu.wait_indirect_dma semaphore(%run_scoped3A_60 : memref<!tpu.dma_semaphore, #tpu.memory_space<semaphore_mem>>) src(%dma_wait3A_74 : memref<128x128xf32, #tpu.memory_space<vmem>>) dst(%dma_wait3A_80 : memref<10240x128xf32, #tpu.memory_space<vmem_shared>>)
        tpu.yield
      }) : () -> ()
    }
    %while3A_27 = arith.constant 1 : i32
    scf.for %while3A_29 = %while3A_25 to %while3A_21 step %while3A_27  : i32 {
      %mul3A_30 = arith.muli %while3A_29, %while3A : i32
      %add3A_31 = arith.addi %while3A_18, %mul3A_30 : i32
      %add3A_32 = arith.addi %add3A_11, %add3A_31 : i32
      %mul3A_33 = arith.constant 128 : i32
      %mul3A_34 = arith.muli %add3A_32, %mul3A_33 : i32
      %run_scoped3A = arith.constant 0 : i32
      "tpu.region"() ({
        %run_scoped3A_60 = tpu.sem_alloc : memref<!tpu.dma_semaphore, #tpu.memory_space<semaphore_mem>>
        %dma_start3A_61 = arith.constant 0 : i32
        %dma_start3A_62 = tpu.memref_slice %arg7[%run_scoped3A, %dma_start3A_61] : memref<2x128xi32, #tpu.memory_space<vmem>> -> memref<1x128xi32, #tpu.memory_space<vmem>>
        %dma_start3A_63 = tpu.memref_squeeze %dma_start3A_62 : memref<1x128xi32, #tpu.memory_space<vmem>> -> memref<128xi32, #tpu.memory_space<vmem>>
        %dma_start3A_64 = tpu.memref_slice %arg3[%mul3A_34] : memref<323584xi32, #tpu.memory_space<hbm>> -> memref<128xi32, #tpu.memory_space<hbm>>
        %dma_start3A_65 = arith.constant 0 : i32
        %dma_start3A_66 = tpu.memref_slice %arg7[%run_scoped3A, %dma_start3A_65] : memref<2x128xi32, #tpu.memory_space<vmem>> -> memref<1x128xi32, #tpu.memory_space<vmem>>
        %dma_start3A_67 = tpu.memref_squeeze %dma_start3A_66 : memref<1x128xi32, #tpu.memory_space<vmem>> -> memref<128xi32, #tpu.memory_space<vmem>>
        %dma_start3A_68 = tpu.memref_slice %arg3[%mul3A_34] : memref<323584xi32, #tpu.memory_space<hbm>> -> memref<128xi32, #tpu.memory_space<hbm>>
        tpu.enqueue_dma source(%dma_start3A_68 : memref<128xi32, #tpu.memory_space<hbm>>) target(%dma_start3A_67 : memref<128xi32, #tpu.memory_space<vmem>>) target_semaphore(%run_scoped3A_60 : memref<!tpu.dma_semaphore, #tpu.memory_space<semaphore_mem>>)
        %dma_wait3A_69 = arith.constant 0 : i32
        %dma_wait3A_70 = tpu.memref_slice %arg7[%run_scoped3A, %dma_wait3A_69] : memref<2x128xi32, #tpu.memory_space<vmem>> -> memref<1x128xi32, #tpu.memory_space<vmem>>
        %dma_wait3A_71 = tpu.memref_squeeze %dma_wait3A_70 : memref<1x128xi32, #tpu.memory_space<vmem>> -> memref<128xi32, #tpu.memory_space<vmem>>
        %dma_wait3A_72 = tpu.memref_slice %arg3[%mul3A_34] : memref<323584xi32, #tpu.memory_space<hbm>> -> memref<128xi32, #tpu.memory_space<hbm>>
        %dma_wait3A_73 = arith.constant 0 : i32
        %dma_wait3A_74 = tpu.memref_slice %arg7[%run_scoped3A, %dma_wait3A_73] : memref<2x128xi32, #tpu.memory_space<vmem>> -> memref<1x128xi32, #tpu.memory_space<vmem>>
        %dma_wait3A_75 = tpu.memref_squeeze %dma_wait3A_74 : memref<1x128xi32, #tpu.memory_space<vmem>> -> memref<128xi32, #tpu.memory_space<vmem>>
        %dma_wait3A_76 = tpu.memref_slice %arg3[%mul3A_34] : memref<323584xi32, #tpu.memory_space<hbm>> -> memref<128xi32, #tpu.memory_space<hbm>>
        tpu.wait_dma2 semaphore(%run_scoped3A_60 : memref<!tpu.dma_semaphore, #tpu.memory_space<semaphore_mem>>) src(%dma_wait3A_76 : memref<128xi32, #tpu.memory_space<hbm>>) dst(%dma_wait3A_75 : memref<128xi32, #tpu.memory_space<vmem>>)
        tpu.yield
      }) : () -> ()
      %run_scoped3A_35 = arith.constant 0 : i32
      "tpu.region"() ({
        %run_scoped3A_60 = tpu.sem_alloc : memref<!tpu.dma_semaphore, #tpu.memory_space<semaphore_mem>>
        %dma_start3A_61 = arith.constant 0 : i32
        %dma_start3A_62 = tpu.memref_slice %arg8[%run_scoped3A_35, %dma_start3A_61] : memref<2x128xi32, #tpu.memory_space<vmem>> -> memref<1x128xi32, #tpu.memory_space<vmem>>
        %dma_start3A_63 = tpu.memref_squeeze %dma_start3A_62 : memref<1x128xi32, #tpu.memory_space<vmem>> -> memref<128xi32, #tpu.memory_space<vmem>>
        %dma_start3A_64 = tpu.memref_slice %arg4[%mul3A_34] : memref<323584xi32, #tpu.memory_space<hbm>> -> memref<128xi32, #tpu.memory_space<hbm>>
        %dma_start3A_65 = arith.constant 0 : i32
        %dma_start3A_66 = tpu.memref_slice %arg8[%run_scoped3A_35, %dma_start3A_65] : memref<2x128xi32, #tpu.memory_space<vmem>> -> memref<1x128xi32, #tpu.memory_space<vmem>>
        %dma_start3A_67 = tpu.memref_squeeze %dma_start3A_66 : memref<1x128xi32, #tpu.memory_space<vmem>> -> memref<128xi32, #tpu.memory_space<vmem>>
        %dma_start3A_68 = tpu.memref_slice %arg4[%mul3A_34] : memref<323584xi32, #tpu.memory_space<hbm>> -> memref<128xi32, #tpu.memory_space<hbm>>
        tpu.enqueue_dma source(%dma_start3A_68 : memref<128xi32, #tpu.memory_space<hbm>>) target(%dma_start3A_67 : memref<128xi32, #tpu.memory_space<vmem>>) target_semaphore(%run_scoped3A_60 : memref<!tpu.dma_semaphore, #tpu.memory_space<semaphore_mem>>)
        %dma_wait3A_69 = arith.constant 0 : i32
        %dma_wait3A_70 = tpu.memref_slice %arg8[%run_scoped3A_35, %dma_wait3A_69] : memref<2x128xi32, #tpu.memory_space<vmem>> -> memref<1x128xi32, #tpu.memory_space<vmem>>
        %dma_wait3A_71 = tpu.memref_squeeze %dma_wait3A_70 : memref<1x128xi32, #tpu.memory_space<vmem>> -> memref<128xi32, #tpu.memory_space<vmem>>
        %dma_wait3A_72 = tpu.memref_slice %arg4[%mul3A_34] : memref<323584xi32, #tpu.memory_space<hbm>> -> memref<128xi32, #tpu.memory_space<hbm>>
        %dma_wait3A_73 = arith.constant 0 : i32
        %dma_wait3A_74 = tpu.memref_slice %arg8[%run_scoped3A_35, %dma_wait3A_73] : memref<2x128xi32, #tpu.memory_space<vmem>> -> memref<1x128xi32, #tpu.memory_space<vmem>>
        %dma_wait3A_75 = tpu.memref_squeeze %dma_wait3A_74 : memref<1x128xi32, #tpu.memory_space<vmem>> -> memref<128xi32, #tpu.memory_space<vmem>>
        %dma_wait3A_76 = tpu.memref_slice %arg4[%mul3A_34] : memref<323584xi32, #tpu.memory_space<hbm>> -> memref<128xi32, #tpu.memory_space<hbm>>
        tpu.wait_dma2 semaphore(%run_scoped3A_60 : memref<!tpu.dma_semaphore, #tpu.memory_space<semaphore_mem>>) src(%dma_wait3A_76 : memref<128xi32, #tpu.memory_space<hbm>>) dst(%dma_wait3A_75 : memref<128xi32, #tpu.memory_space<vmem>>)
        tpu.yield
      }) : () -> ()
      %dma_start3A = arith.constant 0 : i32
      %dma_start3A_36 = arith.constant 0 : i32
      %dma_start3A_37 = arith.constant 0 : i32
      %dma_start3A_38 = arith.constant 0 : i32
      %dma_start3A_39 = tpu.memref_slice %arg9[%dma_start3A_36, %dma_start3A_37, %dma_start3A_38] : memref<2x128x128xf32, #tpu.memory_space<vmem>> -> memref<1x128x128xf32, #tpu.memory_space<vmem>>
      %dma_start3A_40 = tpu.memref_squeeze %dma_start3A_39 : memref<1x128x128xf32, #tpu.memory_space<vmem>> -> memref<128x128xf32, #tpu.memory_space<vmem>>
      %dma_start3A_41 = arith.constant 0 : i32
      %dma_start3A_42 = tpu.memref_slice %arg7[%dma_start3A, %dma_start3A_41] : memref<2x128xi32, #tpu.memory_space<vmem>> -> memref<1x128xi32, #tpu.memory_space<vmem>>
      %dma_start3A_43 = tpu.memref_squeeze %dma_start3A_42 : memref<1x128xi32, #tpu.memory_space<vmem>> -> memref<128xi32, #tpu.memory_space<vmem>>
      %dma_start3A_44 = arith.constant 0 : i32
      %dma_start3A_45 = arith.constant 0 : i32
      %dma_start3A_46 = tpu.memref_slice %arg2[%dma_start3A_44, %dma_start3A_45] : memref<10000x128xf32, #tpu.memory_space<hbm>> -> memref<10000x128xf32, #tpu.memory_space<hbm>>
      tpu.enqueue_indirect_dma source(%dma_start3A_46 : memref<10000x128xf32, #tpu.memory_space<hbm>>) target(%dma_start3A_40 : memref<128x128xf32, #tpu.memory_space<vmem>>) offsets(%dma_start3A_43 : memref<128xi32, #tpu.memory_space<vmem>>) semaphore(%arg11 : memref<!tpu.dma_semaphore, #tpu.memory_space<semaphore_mem>>)
      %dma_wait3A = arith.constant 0 : i32
      %dma_wait3A_47 = arith.constant 0 : i32
      %dma_wait3A_48 = arith.constant 0 : i32
      %dma_wait3A_49 = arith.constant 0 : i32
      %dma_wait3A_50 = tpu.memref_slice %arg9[%dma_wait3A_47, %dma_wait3A_48, %dma_wait3A_49] : memref<2x128x128xf32, #tpu.memory_space<vmem>> -> memref<1x128x128xf32, #tpu.memory_space<vmem>>
      %dma_wait3A_51 = tpu.memref_squeeze %dma_wait3A_50 : memref<1x128x128xf32, #tpu.memory_space<vmem>> -> memref<128x128xf32, #tpu.memory_space<vmem>>
      %dma_wait3A_52 = arith.constant 0 : i32
      %dma_wait3A_53 = tpu.memref_slice %arg7[%dma_wait3A, %dma_wait3A_52] : memref<2x128xi32, #tpu.memory_space<vmem>> -> memref<1x128xi32, #tpu.memory_space<vmem>>
      %dma_wait3A_54 = tpu.memref_squeeze %dma_wait3A_53 : memref<1x128xi32, #tpu.memory_space<vmem>> -> memref<128xi32, #tpu.memory_space<vmem>>
      %dma_wait3A_55 = arith.constant 0 : i32
      %dma_wait3A_56 = arith.constant 0 : i32
      %dma_wait3A_57 = tpu.memref_slice %arg2[%dma_wait3A_55, %dma_wait3A_56] : memref<10000x128xf32, #tpu.memory_space<hbm>> -> memref<10000x128xf32, #tpu.memory_space<hbm>>
      tpu.wait_indirect_dma semaphore(%arg11 : memref<!tpu.dma_semaphore, #tpu.memory_space<semaphore_mem>>) src(%dma_wait3A_57 : memref<10000x128xf32, #tpu.memory_space<hbm>>) dst(%dma_wait3A_51 : memref<128x128xf32, #tpu.memory_space<vmem>>)
      %run_scoped3A_58 = arith.constant 0 : i32
      %run_scoped3A_59 = arith.constant 0 : i32
      "tpu.region"() ({
        %run_scoped3A_60 = tpu.sem_alloc : memref<!tpu.dma_semaphore, #tpu.memory_space<semaphore_mem>>
        %dma_start3A_61 = arith.constant 0 : i32
        %dma_start3A_62 = arith.constant 0 : i32
        %dma_start3A_63 = tpu.memref_slice %arg9[%run_scoped3A_58, %dma_start3A_61, %dma_start3A_62] : memref<2x128x128xf32, #tpu.memory_space<vmem>> -> memref<1x128x128xf32, #tpu.memory_space<vmem>>
        %dma_start3A_64 = tpu.memref_squeeze %dma_start3A_63 : memref<1x128x128xf32, #tpu.memory_space<vmem>> -> memref<128x128xf32, #tpu.memory_space<vmem>>
        %dma_start3A_65 = arith.constant 0 : i32
        %dma_start3A_66 = tpu.memref_slice %arg8[%run_scoped3A_59, %dma_start3A_65] : memref<2x128xi32, #tpu.memory_space<vmem>> -> memref<1x128xi32, #tpu.memory_space<vmem>>
        %dma_start3A_67 = tpu.memref_squeeze %dma_start3A_66 : memref<1x128xi32, #tpu.memory_space<vmem>> -> memref<128xi32, #tpu.memory_space<vmem>>
        %dma_start3A_68 = arith.constant 0 : i32
        %dma_start3A_69 = arith.constant 0 : i32
        %dma_start3A_70 = tpu.memref_slice %arg10[%dma_start3A_68, %dma_start3A_69] : memref<10240x128xf32, #tpu.memory_space<vmem_shared>> -> memref<10240x128xf32, #tpu.memory_space<vmem_shared>>
        tpu.enqueue_indirect_dma source(%dma_start3A_64 : memref<128x128xf32, #tpu.memory_space<vmem>>) target(%dma_start3A_70 : memref<10240x128xf32, #tpu.memory_space<vmem_shared>>) offsets(%dma_start3A_67 : memref<128xi32, #tpu.memory_space<vmem>>) semaphore(%run_scoped3A_60 : memref<!tpu.dma_semaphore, #tpu.memory_space<semaphore_mem>>) {add = true}
        %dma_wait3A_71 = arith.constant 0 : i32
        %dma_wait3A_72 = arith.constant 0 : i32
        %dma_wait3A_73 = tpu.memref_slice %arg9[%run_scoped3A_58, %dma_wait3A_71, %dma_wait3A_72] : memref<2x128x128xf32, #tpu.memory_space<vmem>> -> memref<1x128x128xf32, #tpu.memory_space<vmem>>
        %dma_wait3A_74 = tpu.memref_squeeze %dma_wait3A_73 : memref<1x128x128xf32, #tpu.memory_space<vmem>> -> memref<128x128xf32, #tpu.memory_space<vmem>>
        %dma_wait3A_75 = arith.constant 0 : i32
        %dma_wait3A_76 = tpu.memref_slice %arg8[%run_scoped3A_59, %dma_wait3A_75] : memref<2x128xi32, #tpu.memory_space<vmem>> -> memref<1x128xi32, #tpu.memory_space<vmem>>
        %dma_wait3A_77 = tpu.memref_squeeze %dma_wait3A_76 : memref<1x128xi32, #tpu.memory_space<vmem>> -> memref<128xi32, #tpu.memory_space<vmem>>
        %dma_wait3A_78 = arith.constant 0 : i32
        %dma_wait3A_79 = arith.constant 0 : i32
        %dma_wait3A_80 = tpu.memref_slice %arg10[%dma_wait3A_78, %dma_wait3A_79] : memref<10240x128xf32, #tpu.memory_space<vmem_shared>> -> memref<10240x128xf32, #tpu.memory_space<vmem_shared>>
        tpu.wait_indirect_dma semaphore(%run_scoped3A_60 : memref<!tpu.dma_semaphore, #tpu.memory_space<semaphore_mem>>) src(%dma_wait3A_74 : memref<128x128xf32, #tpu.memory_space<vmem>>) dst(%dma_wait3A_80 : memref<10240x128xf32, #tpu.memory_space<vmem_shared>>)
        tpu.yield
      }) : () -> ()
    }
    %barrier3A_28 = arith.constant 0 : index
    tpu.barrier barrier_id(%barrier3A_28)
    "tpu.region"() ({
      %run_scoped3A = tpu.sem_alloc : memref<!tpu.dma_semaphore, #tpu.memory_space<semaphore_mem>>
      %dma_start3A = arith.constant 0 : i32
      %dma_start3A_29 = tpu.memref_slice %arg6[%arg0, %mul3A_0, %dma_start3A] : memref<2x10240x128xf32, #tpu.memory_space<hbm>> -> memref<1x640x128xf32, #tpu.memory_space<hbm>>
      %dma_start3A_30 = tpu.memref_squeeze %dma_start3A_29 : memref<1x640x128xf32, #tpu.memory_space<hbm>> -> memref<640x128xf32, #tpu.memory_space<hbm>>
      %dma_start3A_31 = arith.constant 0 : i32
      %dma_start3A_32 = tpu.memref_slice %arg10[%mul3A_0, %dma_start3A_31] : memref<10240x128xf32, #tpu.memory_space<vmem_shared>> -> memref<640x128xf32, #tpu.memory_space<vmem_shared>>
      tpu.enqueue_dma source(%dma_start3A_32 : memref<640x128xf32, #tpu.memory_space<vmem_shared>>) target(%dma_start3A_30 : memref<640x128xf32, #tpu.memory_space<hbm>>) target_semaphore(%run_scoped3A : memref<!tpu.dma_semaphore, #tpu.memory_space<semaphore_mem>>)
      %dma_wait3A = arith.constant 0 : i32
      %dma_wait3A_33 = tpu.memref_slice %arg6[%arg0, %mul3A_0, %dma_wait3A] : memref<2x10240x128xf32, #tpu.memory_space<hbm>> -> memref<1x640x128xf32, #tpu.memory_space<hbm>>
      %dma_wait3A_34 = tpu.memref_squeeze %dma_wait3A_33 : memref<1x640x128xf32, #tpu.memory_space<hbm>> -> memref<640x128xf32, #tpu.memory_space<hbm>>
      %dma_wait3A_35 = arith.constant 0 : i32
      %dma_wait3A_36 = tpu.memref_slice %arg10[%mul3A_0, %dma_wait3A_35] : memref<10240x128xf32, #tpu.memory_space<vmem_shared>> -> memref<640x128xf32, #tpu.memory_space<vmem_shared>>
      tpu.wait_dma2 semaphore(%run_scoped3A : memref<!tpu.dma_semaphore, #tpu.memory_space<semaphore_mem>>) src(%dma_wait3A_36 : memref<640x128xf32, #tpu.memory_space<vmem_shared>>) dst(%dma_wait3A_34 : memref<640x128xf32, #tpu.memory_space<hbm>>)
      tpu.yield
    }) : () -> ()
    return
  }
}

#map = affine_map<(d0, d1) -> (0)>
#map1 = affine_map<(d0, d1) -> (0, 0)>
#map2 = affine_map<(d0, d1) -> (0, 0, 0)>
module attributes {stable_mosaic.version = 14 : i64} {
  func.func @k(%arg0: i32, %arg1: i32, %arg2: memref<323584xi32, #tpu.memory_space<hbm>>, %arg3: memref<10240x16xf32, #tpu.memory_space<hbm>>, %arg4: memref<2x10240x16xf32, #tpu.memory_space<hbm>>, %arg5: memref<4x128xi32, #tpu.memory_space<vmem>>, %arg6: memref<128x16xf32, #tpu.memory_space<vmem>>, %arg7: memref<10240x16xf32, #tpu.memory_space<vmem_shared>>, %arg8: memref<!tpu.dma_semaphore, #tpu.memory_space<semaphore_mem>>, %arg9: memref<!tpu.dma_semaphore, #tpu.memory_space<semaphore_mem>>, %arg10: memref<!tpu.dma_semaphore, #tpu.memory_space<semaphore_mem>>, %arg11: memref<!tpu.dma_semaphore, #tpu.memory_space<semaphore_mem>>, %arg12: memref<!tpu.dma_semaphore, #tpu.memory_space<semaphore_mem>>, %arg13: memref<!tpu.dma_semaphore, #tpu.memory_space<semaphore_mem>>, %arg14: memref<!tpu.dma_semaphore, #tpu.memory_space<semaphore_mem>>, %arg15: memref<!tpu.dma_semaphore, #tpu.memory_space<semaphore_mem>>) attributes {dimension_semantics = [#tpu.dimension_semantics<core_parallel>, #tpu.dimension_semantics<subcore_parallel>], iteration_bounds = array<i64: 2, 16>, scalar_prefetch = 0 : i64, scratch_operands = 11 : i64, tpu.core_type = #tpu.core_type<sc_vector_subcore>, window_params = [{transform_indices = #map}, {transform_indices = #map1}, {transform_indices = #map2}]} {
    %mul3A = arith.constant 2 : i32
    %mul3A_0 = arith.muli %arg1, %mul3A : i32
    %add3A = arith.addi %mul3A_0, %arg0 : i32
    %mul3A_1 = arith.constant 640 : i32
    %mul3A_2 = arith.muli %arg1, %mul3A_1 : i32
    %mul3A_3 = arith.constant 79 : i32
    %mul3A_4 = arith.muli %add3A, %mul3A_3 : i32
    %scan3A = arith.constant 0 : i32
    %scan3A_5 = arith.constant 128 : i32
    %scan3A_6 = arith.addi %scan3A, %scan3A_5 : i32
    %scan3A_7 = arith.constant 1 : i32
    scf.for %scan3A_15 = %scan3A to %scan3A_6 step %scan3A_7  : i32 {
      %mul3A_16 = arith.constant 1 : i32
      %mul3A_17 = arith.muli %scan3A_15, %mul3A_16 : i32
      %add3A_18 = arith.constant 0 : i32
      %add3A_19 = arith.addi %add3A_18, %mul3A_17 : i32
      %broadcast_in_dim3A = arith.constant 1.000000e+00 : f32
      %broadcast_in_dim3A_20 = vector.broadcast %broadcast_in_dim3A : f32 to vector<16xf32>
      %swap3A = arith.index_cast %add3A_19 : i32 to index
      %swap3A_21 = arith.constant 0 : index
      %swap3A_22 = tpu.vector_load %arg6[%swap3A, %swap3A_21] {strides = array<i32>} : memref<128x16xf32, #tpu.memory_space<vmem>>, vector<1x16xf32>,
      %swap3A_23 = vector.shape_cast %swap3A_22 : vector<1x16xf32> to vector<16xf32>
      %swap3A_24 = vector.shape_cast %broadcast_in_dim3A_20 : vector<16xf32> to vector<1x16xf32>
      tpu.vector_store %arg6[%swap3A, %swap3A_21], %swap3A_24 {strides = array<i32>} : memref<128x16xf32, #tpu.memory_space<vmem>>, vector<1x16xf32>,
    }
    %scan3A_8 = arith.constant 128 : i32
    "tpu.region"() ({
      %run_scoped3A = tpu.sem_alloc : memref<!tpu.dma_semaphore, #tpu.memory_space<semaphore_mem>>
      %dma_start3A = arith.constant 0 : i32
      %dma_start3A_15 = tpu.memref_slice %arg7[%mul3A_2, %dma_start3A] : memref<10240x16xf32, #tpu.memory_space<vmem_shared>> -> memref<640x16xf32, #tpu.memory_space<vmem_shared>>
      %dma_start3A_16 = arith.constant 0 : i32
      %dma_start3A_17 = tpu.memref_slice %arg3[%mul3A_2, %dma_start3A_16] : memref<10240x16xf32, #tpu.memory_space<hbm>> -> memref<640x16xf32, #tpu.memory_space<hbm>>
      tpu.enqueue_dma source(%dma_start3A_17 : memref<640x16xf32, #tpu.memory_space<hbm>>) target(%dma_start3A_15 : memref<640x16xf32, #tpu.memory_space<vmem_shared>>) target_semaphore(%run_scoped3A : memref<!tpu.dma_semaphore, #tpu.memory_space<semaphore_mem>>)
      %dma_wait3A = arith.constant 0 : i32
      %dma_wait3A_18 = tpu.memref_slice %arg7[%mul3A_2, %dma_wait3A] : memref<10240x16xf32, #tpu.memory_space<vmem_shared>> -> memref<640x16xf32, #tpu.memory_space<vmem_shared>>
      %dma_wait3A_19 = arith.constant 0 : i32
      %dma_wait3A_20 = tpu.memref_slice %arg3[%mul3A_2, %dma_wait3A_19] : memref<10240x16xf32, #tpu.memory_space<hbm>> -> memref<640x16xf32, #tpu.memory_space<hbm>>
      tpu.wait_dma2 semaphore(%run_scoped3A : memref<!tpu.dma_semaphore, #tpu.memory_space<semaphore_mem>>) src(%dma_wait3A_20 : memref<640x16xf32, #tpu.memory_space<hbm>>) dst(%dma_wait3A_18 : memref<640x16xf32, #tpu.memory_space<vmem_shared>>)
      tpu.yield
    }) : () -> ()
    %barrier3A = arith.constant 0 : index
    tpu.barrier barrier_id(%barrier3A)
    %scan3A_9 = arith.constant 0 : i32
    %scan3A_10 = arith.constant 79 : i32
    %scan3A_11 = arith.addi %scan3A_9, %scan3A_10 : i32
    %scan3A_12 = arith.constant 1 : i32
    scf.for %scan3A_15 = %scan3A_9 to %scan3A_11 step %scan3A_12  : i32 {
      %mul3A_16 = arith.constant 1 : i32
      %mul3A_17 = arith.muli %scan3A_15, %mul3A_16 : i32
      %add3A_18 = arith.constant 0 : i32
      %add3A_19 = arith.addi %add3A_18, %mul3A_17 : i32
      %add3A_20 = arith.addi %mul3A_4, %add3A_19 : i32
      %mul3A_21 = arith.constant 128 : i32
      %mul3A_22 = arith.muli %add3A_20, %mul3A_21 : i32
      %run_scoped3A = arith.constant 0 : i32
      "tpu.region"() ({
        %run_scoped3A_24 = tpu.sem_alloc : memref<!tpu.dma_semaphore, #tpu.memory_space<semaphore_mem>>
        %dma_start3A = arith.constant 0 : i32
        %dma_start3A_25 = tpu.memref_slice %arg5[%run_scoped3A, %dma_start3A] : memref<4x128xi32, #tpu.memory_space<vmem>> -> memref<1x128xi32, #tpu.memory_space<vmem>>
        %dma_start3A_26 = tpu.memref_squeeze %dma_start3A_25 : memref<1x128xi32, #tpu.memory_space<vmem>> -> memref<128xi32, #tpu.memory_space<vmem>>
        %dma_start3A_27 = tpu.memref_slice %arg2[%mul3A_22] : memref<323584xi32, #tpu.memory_space<hbm>> -> memref<128xi32, #tpu.memory_space<hbm>>
        %dma_start3A_28 = arith.constant 0 : i32
        %dma_start3A_29 = tpu.memref_slice %arg5[%run_scoped3A, %dma_start3A_28] : memref<4x128xi32, #tpu.memory_space<vmem>> -> memref<1x128xi32, #tpu.memory_space<vmem>>
        %dma_start3A_30 = tpu.memref_squeeze %dma_start3A_29 : memref<1x128xi32, #tpu.memory_space<vmem>> -> memref<128xi32, #tpu.memory_space<vmem>>
        %dma_start3A_31 = tpu.memref_slice %arg2[%mul3A_22] : memref<323584xi32, #tpu.memory_space<hbm>> -> memref<128xi32, #tpu.memory_space<hbm>>
        tpu.enqueue_dma source(%dma_start3A_31 : memref<128xi32, #tpu.memory_space<hbm>>) target(%dma_start3A_30 : memref<128xi32, #tpu.memory_space<vmem>>) target_semaphore(%run_scoped3A_24 : memref<!tpu.dma_semaphore, #tpu.memory_space<semaphore_mem>>)
        %dma_wait3A = arith.constant 0 : i32
        %dma_wait3A_32 = tpu.memref_slice %arg5[%run_scoped3A, %dma_wait3A] : memref<4x128xi32, #tpu.memory_space<vmem>> -> memref<1x128xi32, #tpu.memory_space<vmem>>
        %dma_wait3A_33 = tpu.memref_squeeze %dma_wait3A_32 : memref<1x128xi32, #tpu.memory_space<vmem>> -> memref<128xi32, #tpu.memory_space<vmem>>
        %dma_wait3A_34 = tpu.memref_slice %arg2[%mul3A_22] : memref<323584xi32, #tpu.memory_space<hbm>> -> memref<128xi32, #tpu.memory_space<hbm>>
        %dma_wait3A_35 = arith.constant 0 : i32
        %dma_wait3A_36 = tpu.memref_slice %arg5[%run_scoped3A, %dma_wait3A_35] : memref<4x128xi32, #tpu.memory_space<vmem>> -> memref<1x128xi32, #tpu.memory_space<vmem>>
        %dma_wait3A_37 = tpu.memref_squeeze %dma_wait3A_36 : memref<1x128xi32, #tpu.memory_space<vmem>> -> memref<128xi32, #tpu.memory_space<vmem>>
        %dma_wait3A_38 = tpu.memref_slice %arg2[%mul3A_22] : memref<323584xi32, #tpu.memory_space<hbm>> -> memref<128xi32, #tpu.memory_space<hbm>>
        tpu.wait_dma2 semaphore(%run_scoped3A_24 : memref<!tpu.dma_semaphore, #tpu.memory_space<semaphore_mem>>) src(%dma_wait3A_38 : memref<128xi32, #tpu.memory_space<hbm>>) dst(%dma_wait3A_37 : memref<128xi32, #tpu.memory_space<vmem>>)
        tpu.yield
      }) : () -> ()
      %run_scoped3A_23 = arith.constant 0 : i32
      "tpu.region"() ({
        %run_scoped3A_24 = tpu.sem_alloc : memref<!tpu.dma_semaphore, #tpu.memory_space<semaphore_mem>>
        %dma_start3A = arith.constant 0 : i32
        %dma_start3A_25 = tpu.memref_slice %arg5[%run_scoped3A_23, %dma_start3A] : memref<4x128xi32, #tpu.memory_space<vmem>> -> memref<1x128xi32, #tpu.memory_space<vmem>>
        %dma_start3A_26 = tpu.memref_squeeze %dma_start3A_25 : memref<1x128xi32, #tpu.memory_space<vmem>> -> memref<128xi32, #tpu.memory_space<vmem>>
        %dma_start3A_27 = arith.constant 0 : i32
        %dma_start3A_28 = arith.constant 0 : i32
        %dma_start3A_29 = tpu.memref_slice %arg7[%dma_start3A_27, %dma_start3A_28] : memref<10240x16xf32, #tpu.memory_space<vmem_shared>> -> memref<10240x16xf32, #tpu.memory_space<vmem_shared>>
        tpu.enqueue_indirect_dma source(%arg6 : memref<128x16xf32, #tpu.memory_space<vmem>>) target(%dma_start3A_29 : memref<10240x16xf32, #tpu.memory_space<vmem_shared>>) offsets(%dma_start3A_26 : memref<128xi32, #tpu.memory_space<vmem>>) semaphore(%run_scoped3A_24 : memref<!tpu.dma_semaphore, #tpu.memory_space<semaphore_mem>>) {add = true}
        %dma_wait3A = arith.constant 0 : i32
        %dma_wait3A_30 = tpu.memref_slice %arg5[%run_scoped3A_23, %dma_wait3A] : memref<4x128xi32, #tpu.memory_space<vmem>> -> memref<1x128xi32, #tpu.memory_space<vmem>>
        %dma_wait3A_31 = tpu.memref_squeeze %dma_wait3A_30 : memref<1x128xi32, #tpu.memory_space<vmem>> -> memref<128xi32, #tpu.memory_space<vmem>>
        %dma_wait3A_32 = arith.constant 0 : i32
        %dma_wait3A_33 = arith.constant 0 : i32
        %dma_wait3A_34 = tpu.memref_slice %arg7[%dma_wait3A_32, %dma_wait3A_33] : memref<10240x16xf32, #tpu.memory_space<vmem_shared>> -> memref<10240x16xf32, #tpu.memory_space<vmem_shared>>
        tpu.wait_indirect_dma semaphore(%run_scoped3A_24 : memref<!tpu.dma_semaphore, #tpu.memory_space<semaphore_mem>>) src(%arg6 : memref<128x16xf32, #tpu.memory_space<vmem>>) dst(%dma_wait3A_34 : memref<10240x16xf32, #tpu.memory_space<vmem_shared>>)
        tpu.yield
      }) : () -> ()
    }
    %scan3A_13 = arith.constant 79 : i32
    %barrier3A_14 = arith.constant 0 : index
    tpu.barrier barrier_id(%barrier3A_14)
    "tpu.region"() ({
      %run_scoped3A = tpu.sem_alloc : memref<!tpu.dma_semaphore, #tpu.memory_space<semaphore_mem>>
      %dma_start3A = arith.constant 0 : i32
      %dma_start3A_15 = tpu.memref_slice %arg4[%arg0, %mul3A_2, %dma_start3A] : memref<2x10240x16xf32, #tpu.memory_space<hbm>> -> memref<1x640x16xf32, #tpu.memory_space<hbm>>
      %dma_start3A_16 = tpu.memref_squeeze %dma_start3A_15 : memref<1x640x16xf32, #tpu.memory_space<hbm>> -> memref<640x16xf32, #tpu.memory_space<hbm>>
      %dma_start3A_17 = arith.constant 0 : i32
      %dma_start3A_18 = tpu.memref_slice %arg7[%mul3A_2, %dma_start3A_17] : memref<10240x16xf32, #tpu.memory_space<vmem_shared>> -> memref<640x16xf32, #tpu.memory_space<vmem_shared>>
      tpu.enqueue_dma source(%dma_start3A_18 : memref<640x16xf32, #tpu.memory_space<vmem_shared>>) target(%dma_start3A_16 : memref<640x16xf32, #tpu.memory_space<hbm>>) target_semaphore(%run_scoped3A : memref<!tpu.dma_semaphore, #tpu.memory_space<semaphore_mem>>)
      %dma_wait3A = arith.constant 0 : i32
      %dma_wait3A_19 = tpu.memref_slice %arg4[%arg0, %mul3A_2, %dma_wait3A] : memref<2x10240x16xf32, #tpu.memory_space<hbm>> -> memref<1x640x16xf32, #tpu.memory_space<hbm>>
      %dma_wait3A_20 = tpu.memref_squeeze %dma_wait3A_19 : memref<1x640x16xf32, #tpu.memory_space<hbm>> -> memref<640x16xf32, #tpu.memory_space<hbm>>
      %dma_wait3A_21 = arith.constant 0 : i32
      %dma_wait3A_22 = tpu.memref_slice %arg7[%mul3A_2, %dma_wait3A_21] : memref<10240x16xf32, #tpu.memory_space<vmem_shared>> -> memref<640x16xf32, #tpu.memory_space<vmem_shared>>
      tpu.wait_dma2 semaphore(%run_scoped3A : memref<!tpu.dma_semaphore, #tpu.memory_space<semaphore_mem>>) src(%dma_wait3A_22 : memref<640x16xf32, #tpu.memory_space<vmem_shared>>) dst(%dma_wait3A_20 : memref<640x16xf32, #tpu.memory_space<hbm>>)
      tpu.yield
    }) : () -> ()
    return
  }
}

#map = affine_map<(d0, d1) -> (0, 0)>
#map1 = affine_map<(d0, d1) -> (0)>
#map2 = affine_map<(d0, d1) -> (0, 0, 0)>
module attributes {stable_mosaic.version = 14 : i64} {
  func.func @k(%arg0: i32, %arg1: i32, %arg2: memref<10000x128xf32, #tpu.memory_space<hbm>>, %arg3: memref<323584xi32, #tpu.memory_space<hbm>>, %arg4: memref<323584xi32, #tpu.memory_space<hbm>>, %arg5: memref<10240x128xf32, #tpu.memory_space<hbm>>, %arg6: memref<2x10240x128xf32, #tpu.memory_space<hbm>>, %arg7: memref<2x128xi32, #tpu.memory_space<vmem>>, %arg8: memref<2x128xi32, #tpu.memory_space<vmem>>, %arg9: memref<2x128x128xf32, #tpu.memory_space<vmem>>, %arg10: memref<10240x128xf32, #tpu.memory_space<vmem_shared>>, %arg11: memref<!tpu.dma_semaphore, #tpu.memory_space<semaphore_mem>>) attributes {dimension_semantics = [#tpu.dimension_semantics<core_parallel>, #tpu.dimension_semantics<subcore_parallel>], iteration_bounds = array<i64: 2, 16>, scalar_prefetch = 0 : i64, scratch_operands = 5 : i64, tpu.core_type = #tpu.core_type<sc_vector_subcore>, window_params = [{transform_indices = #map}, {transform_indices = #map1}, {transform_indices = #map1}, {transform_indices = #map}, {transform_indices = #map2}]} {
    %mul3A = arith.constant 640 : i32
    %mul3A_0 = arith.muli %arg1, %mul3A : i32
    %mul3A_1 = arith.constant -68 : i32
    %mul3A_2 = arith.muli %arg0, %mul3A_1 : i32
    %add3A = arith.constant 113 : i32
    %add3A_3 = arith.addi %add3A, %mul3A_2 : i32
    %mul3A_4 = arith.constant 113 : i32
    %mul3A_5 = arith.muli %arg1, %mul3A_4 : i32
    %mul3A_6 = arith.constant -68 : i32
    %mul3A_7 = arith.muli %arg1, %mul3A_6 : i32
    %add3A_8 = arith.constant 1808 : i32
    %add3A_9 = arith.addi %add3A_8, %mul3A_7 : i32
    %mul3A_10 = arith.muli %arg0, %add3A_9 : i32
    %add3A_11 = arith.addi %mul3A_5, %mul3A_10 : i32
    "tpu.region"() ({
      %run_scoped3A = tpu.sem_alloc : memref<!tpu.dma_semaphore, #tpu.memory_space<semaphore_mem>>
      %dma_start3A = arith.constant 0 : i32
      %dma_start3A_29 = tpu.memref_slice %arg10[%mul3A_0, %dma_start3A] : memref<10240x128xf32, #tpu.memory_space<vmem_shared>> -> memref<640x128xf32, #tpu.memory_space<vmem_shared>>
      %dma_start3A_30 = arith.constant 0 : i32
      %dma_start3A_31 = tpu.memref_slice %arg5[%mul3A_0, %dma_start3A_30] : memref<10240x128xf32, #tpu.memory_space<hbm>> -> memref<640x128xf32, #tpu.memory_space<hbm>>
      tpu.enqueue_dma source(%dma_start3A_31 : memref<640x128xf32, #tpu.memory_space<hbm>>) target(%dma_start3A_29 : memref<640x128xf32, #tpu.memory_space<vmem_shared>>) target_semaphore(%run_scoped3A : memref<!tpu.dma_semaphore, #tpu.memory_space<semaphore_mem>>)
      %dma_wait3A = arith.constant 0 : i32
      %dma_wait3A_32 = tpu.memref_slice %arg10[%mul3A_0, %dma_wait3A] : memref<10240x128xf32, #tpu.memory_space<vmem_shared>> -> memref<640x128xf32, #tpu.memory_space<vmem_shared>>
      %dma_wait3A_33 = arith.constant 0 : i32
      %dma_wait3A_34 = tpu.memref_slice %arg5[%mul3A_0, %dma_wait3A_33] : memref<10240x128xf32, #tpu.memory_space<hbm>> -> memref<640x128xf32, #tpu.memory_space<hbm>>
      tpu.wait_dma2 semaphore(%run_scoped3A : memref<!tpu.dma_semaphore, #tpu.memory_space<semaphore_mem>>) src(%dma_wait3A_34 : memref<640x128xf32, #tpu.memory_space<hbm>>) dst(%dma_wait3A_32 : memref<640x128xf32, #tpu.memory_space<vmem_shared>>)
      tpu.yield
    }) : () -> ()
    %barrier3A = arith.constant 0 : index
    tpu.barrier barrier_id(%barrier3A)
    %sub3A = arith.constant 0 : i32
    %sub3A_12 = arith.subi %add3A_3, %sub3A : i32
    %sub3A_13 = arith.constant 1 : i32
    %sub3A_14 = arith.constant 1 : i32
    %sub3A_15 = arith.subi %sub3A_13, %sub3A_14 : i32
    %add3A_16 = arith.addi %sub3A_12, %sub3A_15 : i32
    %div3A = arith.constant 1 : i32
    %div3A_17 = arith.divsi %add3A_16, %div3A : i32
    %while3A = arith.constant 1 : i32
    %while3A_18 = arith.constant 0 : i32
    %while3A_19 = arith.constant 0 : i32
    %while3A_20 = arith.subi %div3A_17, %while3A_19 : i32
    %while3A_21 = arith.addi %while3A_19, %while3A_20 : i32
    %while3A_22 = arith.constant 1 : i32
    %while3A_23 = arith.divsi %while3A_20, %while3A_22 : i32
    %while3A_24 = arith.muli %while3A_23, %while3A_22 : i32
    %while3A_25 = arith.addi %while3A_19, %while3A_24 : i32
    %while3A_26 = arith.constant 1 : i32
    scf.for %while3A_29 = %while3A_19 to %while3A_25 step %while3A_26  : i32 {
      %mul3A_30 = arith.muli %while3A_29, %while3A : i32
      %add3A_31 = arith.addi %while3A_18, %mul3A_30 : i32
      %add3A_32 = arith.addi %add3A_11, %add3A_31 : i32
      %mul3A_33 = arith.constant 128 : i32
      %mul3A_34 = arith.muli %add3A_32, %mul3A_33 : i32
      %run_scoped3A = arith.constant 0 : i32
      "tpu.region"() ({
        %run_scoped3A_60 = tpu.sem_alloc : memref<!tpu.dma_semaphore, #tpu.memory_space<semaphore_mem>>
        %dma_start3A_61 = arith.constant 0 : i32
        %dma_start3A_62 = tpu.memref_slice %arg7[%run_scoped3A, %dma_start3A_61] : memref<2x128xi32, #tpu.memory_space<vmem>> -> memref<1x128xi32, #tpu.memory_space<vmem>>
        %dma_start3A_63 = tpu.memref_squeeze %dma_start3A_62 : memref<1x128xi32, #tpu.memory_space<vmem>> -> memref<128xi32, #tpu.memory_space<vmem>>
        %dma_start3A_64 = tpu.memref_slice %arg3[%mul3A_34] : memref<323584xi32, #tpu.memory_space<hbm>> -> memref<128xi32, #tpu.memory_space<hbm>>
        %dma_start3A_65 = arith.constant 0 : i32
        %dma_start3A_66 = tpu.memref_slice %arg7[%run_scoped3A, %dma_start3A_65] : memref<2x128xi32, #tpu.memory_space<vmem>> -> memref<1x128xi32, #tpu.memory_space<vmem>>
        %dma_start3A_67 = tpu.memref_squeeze %dma_start3A_66 : memref<1x128xi32, #tpu.memory_space<vmem>> -> memref<128xi32, #tpu.memory_space<vmem>>
        %dma_start3A_68 = tpu.memref_slice %arg3[%mul3A_34] : memref<323584xi32, #tpu.memory_space<hbm>> -> memref<128xi32, #tpu.memory_space<hbm>>
        tpu.enqueue_dma source(%dma_start3A_68 : memref<128xi32, #tpu.memory_space<hbm>>) target(%dma_start3A_67 : memref<128xi32, #tpu.memory_space<vmem>>) target_semaphore(%run_scoped3A_60 : memref<!tpu.dma_semaphore, #tpu.memory_space<semaphore_mem>>)
        %dma_wait3A_69 = arith.constant 0 : i32
        %dma_wait3A_70 = tpu.memref_slice %arg7[%run_scoped3A, %dma_wait3A_69] : memref<2x128xi32, #tpu.memory_space<vmem>> -> memref<1x128xi32, #tpu.memory_space<vmem>>
        %dma_wait3A_71 = tpu.memref_squeeze %dma_wait3A_70 : memref<1x128xi32, #tpu.memory_space<vmem>> -> memref<128xi32, #tpu.memory_space<vmem>>
        %dma_wait3A_72 = tpu.memref_slice %arg3[%mul3A_34] : memref<323584xi32, #tpu.memory_space<hbm>> -> memref<128xi32, #tpu.memory_space<hbm>>
        %dma_wait3A_73 = arith.constant 0 : i32
        %dma_wait3A_74 = tpu.memref_slice %arg7[%run_scoped3A, %dma_wait3A_73] : memref<2x128xi32, #tpu.memory_space<vmem>> -> memref<1x128xi32, #tpu.memory_space<vmem>>
        %dma_wait3A_75 = tpu.memref_squeeze %dma_wait3A_74 : memref<1x128xi32, #tpu.memory_space<vmem>> -> memref<128xi32, #tpu.memory_space<vmem>>
        %dma_wait3A_76 = tpu.memref_slice %arg3[%mul3A_34] : memref<323584xi32, #tpu.memory_space<hbm>> -> memref<128xi32, #tpu.memory_space<hbm>>
        tpu.wait_dma2 semaphore(%run_scoped3A_60 : memref<!tpu.dma_semaphore, #tpu.memory_space<semaphore_mem>>) src(%dma_wait3A_76 : memref<128xi32, #tpu.memory_space<hbm>>) dst(%dma_wait3A_75 : memref<128xi32, #tpu.memory_space<vmem>>)
        tpu.yield
      }) : () -> ()
      %run_scoped3A_35 = arith.constant 0 : i32
      "tpu.region"() ({
        %run_scoped3A_60 = tpu.sem_alloc : memref<!tpu.dma_semaphore, #tpu.memory_space<semaphore_mem>>
        %dma_start3A_61 = arith.constant 0 : i32
        %dma_start3A_62 = tpu.memref_slice %arg8[%run_scoped3A_35, %dma_start3A_61] : memref<2x128xi32, #tpu.memory_space<vmem>> -> memref<1x128xi32, #tpu.memory_space<vmem>>
        %dma_start3A_63 = tpu.memref_squeeze %dma_start3A_62 : memref<1x128xi32, #tpu.memory_space<vmem>> -> memref<128xi32, #tpu.memory_space<vmem>>
        %dma_start3A_64 = tpu.memref_slice %arg4[%mul3A_34] : memref<323584xi32, #tpu.memory_space<hbm>> -> memref<128xi32, #tpu.memory_space<hbm>>
        %dma_start3A_65 = arith.constant 0 : i32
        %dma_start3A_66 = tpu.memref_slice %arg8[%run_scoped3A_35, %dma_start3A_65] : memref<2x128xi32, #tpu.memory_space<vmem>> -> memref<1x128xi32, #tpu.memory_space<vmem>>
        %dma_start3A_67 = tpu.memref_squeeze %dma_start3A_66 : memref<1x128xi32, #tpu.memory_space<vmem>> -> memref<128xi32, #tpu.memory_space<vmem>>
        %dma_start3A_68 = tpu.memref_slice %arg4[%mul3A_34] : memref<323584xi32, #tpu.memory_space<hbm>> -> memref<128xi32, #tpu.memory_space<hbm>>
        tpu.enqueue_dma source(%dma_start3A_68 : memref<128xi32, #tpu.memory_space<hbm>>) target(%dma_start3A_67 : memref<128xi32, #tpu.memory_space<vmem>>) target_semaphore(%run_scoped3A_60 : memref<!tpu.dma_semaphore, #tpu.memory_space<semaphore_mem>>)
        %dma_wait3A_69 = arith.constant 0 : i32
        %dma_wait3A_70 = tpu.memref_slice %arg8[%run_scoped3A_35, %dma_wait3A_69] : memref<2x128xi32, #tpu.memory_space<vmem>> -> memref<1x128xi32, #tpu.memory_space<vmem>>
        %dma_wait3A_71 = tpu.memref_squeeze %dma_wait3A_70 : memref<1x128xi32, #tpu.memory_space<vmem>> -> memref<128xi32, #tpu.memory_space<vmem>>
        %dma_wait3A_72 = tpu.memref_slice %arg4[%mul3A_34] : memref<323584xi32, #tpu.memory_space<hbm>> -> memref<128xi32, #tpu.memory_space<hbm>>
        %dma_wait3A_73 = arith.constant 0 : i32
        %dma_wait3A_74 = tpu.memref_slice %arg8[%run_scoped3A_35, %dma_wait3A_73] : memref<2x128xi32, #tpu.memory_space<vmem>> -> memref<1x128xi32, #tpu.memory_space<vmem>>
        %dma_wait3A_75 = tpu.memref_squeeze %dma_wait3A_74 : memref<1x128xi32, #tpu.memory_space<vmem>> -> memref<128xi32, #tpu.memory_space<vmem>>
        %dma_wait3A_76 = tpu.memref_slice %arg4[%mul3A_34] : memref<323584xi32, #tpu.memory_space<hbm>> -> memref<128xi32, #tpu.memory_space<hbm>>
        tpu.wait_dma2 semaphore(%run_scoped3A_60 : memref<!tpu.dma_semaphore, #tpu.memory_space<semaphore_mem>>) src(%dma_wait3A_76 : memref<128xi32, #tpu.memory_space<hbm>>) dst(%dma_wait3A_75 : memref<128xi32, #tpu.memory_space<vmem>>)
        tpu.yield
      }) : () -> ()
      %dma_start3A = arith.constant 0 : i32
      %dma_start3A_36 = arith.constant 0 : i32
      %dma_start3A_37 = arith.constant 0 : i32
      %dma_start3A_38 = arith.constant 0 : i32
      %dma_start3A_39 = tpu.memref_slice %arg9[%dma_start3A_36, %dma_start3A_37, %dma_start3A_38] : memref<2x128x128xf32, #tpu.memory_space<vmem>> -> memref<1x128x128xf32, #tpu.memory_space<vmem>>
      %dma_start3A_40 = tpu.memref_squeeze %dma_start3A_39 : memref<1x128x128xf32, #tpu.memory_space<vmem>> -> memref<128x128xf32, #tpu.memory_space<vmem>>
      %dma_start3A_41 = arith.constant 0 : i32
      %dma_start3A_42 = tpu.memref_slice %arg7[%dma_start3A, %dma_start3A_41] : memref<2x128xi32, #tpu.memory_space<vmem>> -> memref<1x128xi32, #tpu.memory_space<vmem>>
      %dma_start3A_43 = tpu.memref_squeeze %dma_start3A_42 : memref<1x128xi32, #tpu.memory_space<vmem>> -> memref<128xi32, #tpu.memory_space<vmem>>
      %dma_start3A_44 = arith.constant 0 : i32
      %dma_start3A_45 = arith.constant 0 : i32
      %dma_start3A_46 = tpu.memref_slice %arg2[%dma_start3A_44, %dma_start3A_45] : memref<10000x128xf32, #tpu.memory_space<hbm>> -> memref<10000x128xf32, #tpu.memory_space<hbm>>
      tpu.enqueue_indirect_dma source(%dma_start3A_46 : memref<10000x128xf32, #tpu.memory_space<hbm>>) target(%dma_start3A_40 : memref<128x128xf32, #tpu.memory_space<vmem>>) offsets(%dma_start3A_43 : memref<128xi32, #tpu.memory_space<vmem>>) semaphore(%arg11 : memref<!tpu.dma_semaphore, #tpu.memory_space<semaphore_mem>>)
      %dma_wait3A = arith.constant 0 : i32
      %dma_wait3A_47 = arith.constant 0 : i32
      %dma_wait3A_48 = arith.constant 0 : i32
      %dma_wait3A_49 = arith.constant 0 : i32
      %dma_wait3A_50 = tpu.memref_slice %arg9[%dma_wait3A_47, %dma_wait3A_48, %dma_wait3A_49] : memref<2x128x128xf32, #tpu.memory_space<vmem>> -> memref<1x128x128xf32, #tpu.memory_space<vmem>>
      %dma_wait3A_51 = tpu.memref_squeeze %dma_wait3A_50 : memref<1x128x128xf32, #tpu.memory_space<vmem>> -> memref<128x128xf32, #tpu.memory_space<vmem>>
      %dma_wait3A_52 = arith.constant 0 : i32
      %dma_wait3A_53 = tpu.memref_slice %arg7[%dma_wait3A, %dma_wait3A_52] : memref<2x128xi32, #tpu.memory_space<vmem>> -> memref<1x128xi32, #tpu.memory_space<vmem>>
      %dma_wait3A_54 = tpu.memref_squeeze %dma_wait3A_53 : memref<1x128xi32, #tpu.memory_space<vmem>> -> memref<128xi32, #tpu.memory_space<vmem>>
      %dma_wait3A_55 = arith.constant 0 : i32
      %dma_wait3A_56 = arith.constant 0 : i32
      %dma_wait3A_57 = tpu.memref_slice %arg2[%dma_wait3A_55, %dma_wait3A_56] : memref<10000x128xf32, #tpu.memory_space<hbm>> -> memref<10000x128xf32, #tpu.memory_space<hbm>>
      tpu.wait_indirect_dma semaphore(%arg11 : memref<!tpu.dma_semaphore, #tpu.memory_space<semaphore_mem>>) src(%dma_wait3A_57 : memref<10000x128xf32, #tpu.memory_space<hbm>>) dst(%dma_wait3A_51 : memref<128x128xf32, #tpu.memory_space<vmem>>)
      %run_scoped3A_58 = arith.constant 0 : i32
      %run_scoped3A_59 = arith.constant 0 : i32
      "tpu.region"() ({
        %run_scoped3A_60 = tpu.sem_alloc : memref<!tpu.dma_semaphore, #tpu.memory_space<semaphore_mem>>
        %dma_start3A_61 = arith.constant 0 : i32
        %dma_start3A_62 = arith.constant 0 : i32
        %dma_start3A_63 = tpu.memref_slice %arg9[%run_scoped3A_58, %dma_start3A_61, %dma_start3A_62] : memref<2x128x128xf32, #tpu.memory_space<vmem>> -> memref<1x128x128xf32, #tpu.memory_space<vmem>>
        %dma_start3A_64 = tpu.memref_squeeze %dma_start3A_63 : memref<1x128x128xf32, #tpu.memory_space<vmem>> -> memref<128x128xf32, #tpu.memory_space<vmem>>
        %dma_start3A_65 = arith.constant 0 : i32
        %dma_start3A_66 = tpu.memref_slice %arg8[%run_scoped3A_59, %dma_start3A_65] : memref<2x128xi32, #tpu.memory_space<vmem>> -> memref<1x128xi32, #tpu.memory_space<vmem>>
        %dma_start3A_67 = tpu.memref_squeeze %dma_start3A_66 : memref<1x128xi32, #tpu.memory_space<vmem>> -> memref<128xi32, #tpu.memory_space<vmem>>
        %dma_start3A_68 = arith.constant 0 : i32
        %dma_start3A_69 = arith.constant 0 : i32
        %dma_start3A_70 = tpu.memref_slice %arg10[%dma_start3A_68, %dma_start3A_69] : memref<10240x128xf32, #tpu.memory_space<vmem_shared>> -> memref<10240x128xf32, #tpu.memory_space<vmem_shared>>
        tpu.enqueue_indirect_dma source(%dma_start3A_64 : memref<128x128xf32, #tpu.memory_space<vmem>>) target(%dma_start3A_70 : memref<10240x128xf32, #tpu.memory_space<vmem_shared>>) offsets(%dma_start3A_67 : memref<128xi32, #tpu.memory_space<vmem>>) semaphore(%run_scoped3A_60 : memref<!tpu.dma_semaphore, #tpu.memory_space<semaphore_mem>>) {add = true}
        %dma_wait3A_71 = arith.constant 0 : i32
        %dma_wait3A_72 = arith.constant 0 : i32
        %dma_wait3A_73 = tpu.memref_slice %arg9[%run_scoped3A_58, %dma_wait3A_71, %dma_wait3A_72] : memref<2x128x128xf32, #tpu.memory_space<vmem>> -> memref<1x128x128xf32, #tpu.memory_space<vmem>>
        %dma_wait3A_74 = tpu.memref_squeeze %dma_wait3A_73 : memref<1x128x128xf32, #tpu.memory_space<vmem>> -> memref<128x128xf32, #tpu.memory_space<vmem>>
        %dma_wait3A_75 = arith.constant 0 : i32
        %dma_wait3A_76 = tpu.memref_slice %arg8[%run_scoped3A_59, %dma_wait3A_75] : memref<2x128xi32, #tpu.memory_space<vmem>> -> memref<1x128xi32, #tpu.memory_space<vmem>>
        %dma_wait3A_77 = tpu.memref_squeeze %dma_wait3A_76 : memref<1x128xi32, #tpu.memory_space<vmem>> -> memref<128xi32, #tpu.memory_space<vmem>>
        %dma_wait3A_78 = arith.constant 0 : i32
        %dma_wait3A_79 = arith.constant 0 : i32
        %dma_wait3A_80 = tpu.memref_slice %arg10[%dma_wait3A_78, %dma_wait3A_79] : memref<10240x128xf32, #tpu.memory_space<vmem_shared>> -> memref<10240x128xf32, #tpu.memory_space<vmem_shared>>
        tpu.wait_indirect_dma semaphore(%run_scoped3A_60 : memref<!tpu.dma_semaphore, #tpu.memory_space<semaphore_mem>>) src(%dma_wait3A_74 : memref<128x128xf32, #tpu.memory_space<vmem>>) dst(%dma_wait3A_80 : memref<10240x128xf32, #tpu.memory_space<vmem_shared>>)
        tpu.yield
      }) : () -> ()
    }
    %while3A_27 = arith.constant 1 : i32
    scf.for %while3A_29 = %while3A_25 to %while3A_21 step %while3A_27  : i32 {
      %mul3A_30 = arith.muli %while3A_29, %while3A : i32
      %add3A_31 = arith.addi %while3A_18, %mul3A_30 : i32
      %add3A_32 = arith.addi %add3A_11, %add3A_31 : i32
      %mul3A_33 = arith.constant 128 : i32
      %mul3A_34 = arith.muli %add3A_32, %mul3A_33 : i32
      %run_scoped3A = arith.constant 0 : i32
      "tpu.region"() ({
        %run_scoped3A_60 = tpu.sem_alloc : memref<!tpu.dma_semaphore, #tpu.memory_space<semaphore_mem>>
        %dma_start3A_61 = arith.constant 0 : i32
        %dma_start3A_62 = tpu.memref_slice %arg7[%run_scoped3A, %dma_start3A_61] : memref<2x128xi32, #tpu.memory_space<vmem>> -> memref<1x128xi32, #tpu.memory_space<vmem>>
        %dma_start3A_63 = tpu.memref_squeeze %dma_start3A_62 : memref<1x128xi32, #tpu.memory_space<vmem>> -> memref<128xi32, #tpu.memory_space<vmem>>
        %dma_start3A_64 = tpu.memref_slice %arg3[%mul3A_34] : memref<323584xi32, #tpu.memory_space<hbm>> -> memref<128xi32, #tpu.memory_space<hbm>>
        %dma_start3A_65 = arith.constant 0 : i32
        %dma_start3A_66 = tpu.memref_slice %arg7[%run_scoped3A, %dma_start3A_65] : memref<2x128xi32, #tpu.memory_space<vmem>> -> memref<1x128xi32, #tpu.memory_space<vmem>>
        %dma_start3A_67 = tpu.memref_squeeze %dma_start3A_66 : memref<1x128xi32, #tpu.memory_space<vmem>> -> memref<128xi32, #tpu.memory_space<vmem>>
        %dma_start3A_68 = tpu.memref_slice %arg3[%mul3A_34] : memref<323584xi32, #tpu.memory_space<hbm>> -> memref<128xi32, #tpu.memory_space<hbm>>
        tpu.enqueue_dma source(%dma_start3A_68 : memref<128xi32, #tpu.memory_space<hbm>>) target(%dma_start3A_67 : memref<128xi32, #tpu.memory_space<vmem>>) target_semaphore(%run_scoped3A_60 : memref<!tpu.dma_semaphore, #tpu.memory_space<semaphore_mem>>)
        %dma_wait3A_69 = arith.constant 0 : i32
        %dma_wait3A_70 = tpu.memref_slice %arg7[%run_scoped3A, %dma_wait3A_69] : memref<2x128xi32, #tpu.memory_space<vmem>> -> memref<1x128xi32, #tpu.memory_space<vmem>>
        %dma_wait3A_71 = tpu.memref_squeeze %dma_wait3A_70 : memref<1x128xi32, #tpu.memory_space<vmem>> -> memref<128xi32, #tpu.memory_space<vmem>>
        %dma_wait3A_72 = tpu.memref_slice %arg3[%mul3A_34] : memref<323584xi32, #tpu.memory_space<hbm>> -> memref<128xi32, #tpu.memory_space<hbm>>
        %dma_wait3A_73 = arith.constant 0 : i32
        %dma_wait3A_74 = tpu.memref_slice %arg7[%run_scoped3A, %dma_wait3A_73] : memref<2x128xi32, #tpu.memory_space<vmem>> -> memref<1x128xi32, #tpu.memory_space<vmem>>
        %dma_wait3A_75 = tpu.memref_squeeze %dma_wait3A_74 : memref<1x128xi32, #tpu.memory_space<vmem>> -> memref<128xi32, #tpu.memory_space<vmem>>
        %dma_wait3A_76 = tpu.memref_slice %arg3[%mul3A_34] : memref<323584xi32, #tpu.memory_space<hbm>> -> memref<128xi32, #tpu.memory_space<hbm>>
        tpu.wait_dma2 semaphore(%run_scoped3A_60 : memref<!tpu.dma_semaphore, #tpu.memory_space<semaphore_mem>>) src(%dma_wait3A_76 : memref<128xi32, #tpu.memory_space<hbm>>) dst(%dma_wait3A_75 : memref<128xi32, #tpu.memory_space<vmem>>)
        tpu.yield
      }) : () -> ()
      %run_scoped3A_35 = arith.constant 0 : i32
      "tpu.region"() ({
        %run_scoped3A_60 = tpu.sem_alloc : memref<!tpu.dma_semaphore, #tpu.memory_space<semaphore_mem>>
        %dma_start3A_61 = arith.constant 0 : i32
        %dma_start3A_62 = tpu.memref_slice %arg8[%run_scoped3A_35, %dma_start3A_61] : memref<2x128xi32, #tpu.memory_space<vmem>> -> memref<1x128xi32, #tpu.memory_space<vmem>>
        %dma_start3A_63 = tpu.memref_squeeze %dma_start3A_62 : memref<1x128xi32, #tpu.memory_space<vmem>> -> memref<128xi32, #tpu.memory_space<vmem>>
        %dma_start3A_64 = tpu.memref_slice %arg4[%mul3A_34] : memref<323584xi32, #tpu.memory_space<hbm>> -> memref<128xi32, #tpu.memory_space<hbm>>
        %dma_start3A_65 = arith.constant 0 : i32
        %dma_start3A_66 = tpu.memref_slice %arg8[%run_scoped3A_35, %dma_start3A_65] : memref<2x128xi32, #tpu.memory_space<vmem>> -> memref<1x128xi32, #tpu.memory_space<vmem>>
        %dma_start3A_67 = tpu.memref_squeeze %dma_start3A_66 : memref<1x128xi32, #tpu.memory_space<vmem>> -> memref<128xi32, #tpu.memory_space<vmem>>
        %dma_start3A_68 = tpu.memref_slice %arg4[%mul3A_34] : memref<323584xi32, #tpu.memory_space<hbm>> -> memref<128xi32, #tpu.memory_space<hbm>>
        tpu.enqueue_dma source(%dma_start3A_68 : memref<128xi32, #tpu.memory_space<hbm>>) target(%dma_start3A_67 : memref<128xi32, #tpu.memory_space<vmem>>) target_semaphore(%run_scoped3A_60 : memref<!tpu.dma_semaphore, #tpu.memory_space<semaphore_mem>>)
        %dma_wait3A_69 = arith.constant 0 : i32
        %dma_wait3A_70 = tpu.memref_slice %arg8[%run_scoped3A_35, %dma_wait3A_69] : memref<2x128xi32, #tpu.memory_space<vmem>> -> memref<1x128xi32, #tpu.memory_space<vmem>>
        %dma_wait3A_71 = tpu.memref_squeeze %dma_wait3A_70 : memref<1x128xi32, #tpu.memory_space<vmem>> -> memref<128xi32, #tpu.memory_space<vmem>>
        %dma_wait3A_72 = tpu.memref_slice %arg4[%mul3A_34] : memref<323584xi32, #tpu.memory_space<hbm>> -> memref<128xi32, #tpu.memory_space<hbm>>
        %dma_wait3A_73 = arith.constant 0 : i32
        %dma_wait3A_74 = tpu.memref_slice %arg8[%run_scoped3A_35, %dma_wait3A_73] : memref<2x128xi32, #tpu.memory_space<vmem>> -> memref<1x128xi32, #tpu.memory_space<vmem>>
        %dma_wait3A_75 = tpu.memref_squeeze %dma_wait3A_74 : memref<1x128xi32, #tpu.memory_space<vmem>> -> memref<128xi32, #tpu.memory_space<vmem>>
        %dma_wait3A_76 = tpu.memref_slice %arg4[%mul3A_34] : memref<323584xi32, #tpu.memory_space<hbm>> -> memref<128xi32, #tpu.memory_space<hbm>>
        tpu.wait_dma2 semaphore(%run_scoped3A_60 : memref<!tpu.dma_semaphore, #tpu.memory_space<semaphore_mem>>) src(%dma_wait3A_76 : memref<128xi32, #tpu.memory_space<hbm>>) dst(%dma_wait3A_75 : memref<128xi32, #tpu.memory_space<vmem>>)
        tpu.yield
      }) : () -> ()
      %dma_start3A = arith.constant 0 : i32
      %dma_start3A_36 = arith.constant 0 : i32
      %dma_start3A_37 = arith.constant 0 : i32
      %dma_start3A_38 = arith.constant 0 : i32
      %dma_start3A_39 = tpu.memref_slice %arg9[%dma_start3A_36, %dma_start3A_37, %dma_start3A_38] : memref<2x128x128xf32, #tpu.memory_space<vmem>> -> memref<1x128x128xf32, #tpu.memory_space<vmem>>
      %dma_start3A_40 = tpu.memref_squeeze %dma_start3A_39 : memref<1x128x128xf32, #tpu.memory_space<vmem>> -> memref<128x128xf32, #tpu.memory_space<vmem>>
      %dma_start3A_41 = arith.constant 0 : i32
      %dma_start3A_42 = tpu.memref_slice %arg7[%dma_start3A, %dma_start3A_41] : memref<2x128xi32, #tpu.memory_space<vmem>> -> memref<1x128xi32, #tpu.memory_space<vmem>>
      %dma_start3A_43 = tpu.memref_squeeze %dma_start3A_42 : memref<1x128xi32, #tpu.memory_space<vmem>> -> memref<128xi32, #tpu.memory_space<vmem>>
      %dma_start3A_44 = arith.constant 0 : i32
      %dma_start3A_45 = arith.constant 0 : i32
      %dma_start3A_46 = tpu.memref_slice %arg2[%dma_start3A_44, %dma_start3A_45] : memref<10000x128xf32, #tpu.memory_space<hbm>> -> memref<10000x128xf32, #tpu.memory_space<hbm>>
      tpu.enqueue_indirect_dma source(%dma_start3A_46 : memref<10000x128xf32, #tpu.memory_space<hbm>>) target(%dma_start3A_40 : memref<128x128xf32, #tpu.memory_space<vmem>>) offsets(%dma_start3A_43 : memref<128xi32, #tpu.memory_space<vmem>>) semaphore(%arg11 : memref<!tpu.dma_semaphore, #tpu.memory_space<semaphore_mem>>)
      %dma_wait3A = arith.constant 0 : i32
      %dma_wait3A_47 = arith.constant 0 : i32
      %dma_wait3A_48 = arith.constant 0 : i32
      %dma_wait3A_49 = arith.constant 0 : i32
      %dma_wait3A_50 = tpu.memref_slice %arg9[%dma_wait3A_47, %dma_wait3A_48, %dma_wait3A_49] : memref<2x128x128xf32, #tpu.memory_space<vmem>> -> memref<1x128x128xf32, #tpu.memory_space<vmem>>
      %dma_wait3A_51 = tpu.memref_squeeze %dma_wait3A_50 : memref<1x128x128xf32, #tpu.memory_space<vmem>> -> memref<128x128xf32, #tpu.memory_space<vmem>>
      %dma_wait3A_52 = arith.constant 0 : i32
      %dma_wait3A_53 = tpu.memref_slice %arg7[%dma_wait3A, %dma_wait3A_52] : memref<2x128xi32, #tpu.memory_space<vmem>> -> memref<1x128xi32, #tpu.memory_space<vmem>>
      %dma_wait3A_54 = tpu.memref_squeeze %dma_wait3A_53 : memref<1x128xi32, #tpu.memory_space<vmem>> -> memref<128xi32, #tpu.memory_space<vmem>>
      %dma_wait3A_55 = arith.constant 0 : i32
      %dma_wait3A_56 = arith.constant 0 : i32
      %dma_wait3A_57 = tpu.memref_slice %arg2[%dma_wait3A_55, %dma_wait3A_56] : memref<10000x128xf32, #tpu.memory_space<hbm>> -> memref<10000x128xf32, #tpu.memory_space<hbm>>
      tpu.wait_indirect_dma semaphore(%arg11 : memref<!tpu.dma_semaphore, #tpu.memory_space<semaphore_mem>>) src(%dma_wait3A_57 : memref<10000x128xf32, #tpu.memory_space<hbm>>) dst(%dma_wait3A_51 : memref<128x128xf32, #tpu.memory_space<vmem>>)
      %run_scoped3A_58 = arith.constant 0 : i32
      %run_scoped3A_59 = arith.constant 0 : i32
      "tpu.region"() ({
        %run_scoped3A_60 = tpu.sem_alloc : memref<!tpu.dma_semaphore, #tpu.memory_space<semaphore_mem>>
        %dma_start3A_61 = arith.constant 0 : i32
        %dma_start3A_62 = arith.constant 0 : i32
        %dma_start3A_63 = tpu.memref_slice %arg9[%run_scoped3A_58, %dma_start3A_61, %dma_start3A_62] : memref<2x128x128xf32, #tpu.memory_space<vmem>> -> memref<1x128x128xf32, #tpu.memory_space<vmem>>
        %dma_start3A_64 = tpu.memref_squeeze %dma_start3A_63 : memref<1x128x128xf32, #tpu.memory_space<vmem>> -> memref<128x128xf32, #tpu.memory_space<vmem>>
        %dma_start3A_65 = arith.constant 0 : i32
        %dma_start3A_66 = tpu.memref_slice %arg8[%run_scoped3A_59, %dma_start3A_65] : memref<2x128xi32, #tpu.memory_space<vmem>> -> memref<1x128xi32, #tpu.memory_space<vmem>>
        %dma_start3A_67 = tpu.memref_squeeze %dma_start3A_66 : memref<1x128xi32, #tpu.memory_space<vmem>> -> memref<128xi32, #tpu.memory_space<vmem>>
        %dma_start3A_68 = arith.constant 0 : i32
        %dma_start3A_69 = arith.constant 0 : i32
        %dma_start3A_70 = tpu.memref_slice %arg10[%dma_start3A_68, %dma_start3A_69] : memref<10240x128xf32, #tpu.memory_space<vmem_shared>> -> memref<10240x128xf32, #tpu.memory_space<vmem_shared>>
        tpu.enqueue_indirect_dma source(%dma_start3A_64 : memref<128x128xf32, #tpu.memory_space<vmem>>) target(%dma_start3A_70 : memref<10240x128xf32, #tpu.memory_space<vmem_shared>>) offsets(%dma_start3A_67 : memref<128xi32, #tpu.memory_space<vmem>>) semaphore(%run_scoped3A_60 : memref<!tpu.dma_semaphore, #tpu.memory_space<semaphore_mem>>) {add = true}
        %dma_wait3A_71 = arith.constant 0 : i32
        %dma_wait3A_72 = arith.constant 0 : i32
        %dma_wait3A_73 = tpu.memref_slice %arg9[%run_scoped3A_58, %dma_wait3A_71, %dma_wait3A_72] : memref<2x128x128xf32, #tpu.memory_space<vmem>> -> memref<1x128x128xf32, #tpu.memory_space<vmem>>
        %dma_wait3A_74 = tpu.memref_squeeze %dma_wait3A_73 : memref<1x128x128xf32, #tpu.memory_space<vmem>> -> memref<128x128xf32, #tpu.memory_space<vmem>>
        %dma_wait3A_75 = arith.constant 0 : i32
        %dma_wait3A_76 = tpu.memref_slice %arg8[%run_scoped3A_59, %dma_wait3A_75] : memref<2x128xi32, #tpu.memory_space<vmem>> -> memref<1x128xi32, #tpu.memory_space<vmem>>
        %dma_wait3A_77 = tpu.memref_squeeze %dma_wait3A_76 : memref<1x128xi32, #tpu.memory_space<vmem>> -> memref<128xi32, #tpu.memory_space<vmem>>
        %dma_wait3A_78 = arith.constant 0 : i32
        %dma_wait3A_79 = arith.constant 0 : i32
        %dma_wait3A_80 = tpu.memref_slice %arg10[%dma_wait3A_78, %dma_wait3A_79] : memref<10240x128xf32, #tpu.memory_space<vmem_shared>> -> memref<10240x128xf32, #tpu.memory_space<vmem_shared>>
        tpu.wait_indirect_dma semaphore(%run_scoped3A_60 : memref<!tpu.dma_semaphore, #tpu.memory_space<semaphore_mem>>) src(%dma_wait3A_74 : memref<128x128xf32, #tpu.memory_space<vmem>>) dst(%dma_wait3A_80 : memref<10240x128xf32, #tpu.memory_space<vmem_shared>>)
        tpu.yield
      }) : () -> ()
    }
    %barrier3A_28 = arith.constant 0 : index
    tpu.barrier barrier_id(%barrier3A_28)
    "tpu.region"() ({
      %run_scoped3A = tpu.sem_alloc : memref<!tpu.dma_semaphore, #tpu.memory_space<semaphore_mem>>
      %dma_start3A = arith.constant 0 : i32
      %dma_start3A_29 = tpu.memref_slice %arg6[%arg0, %mul3A_0, %dma_start3A] : memref<2x10240x128xf32, #tpu.memory_space<hbm>> -> memref<1x640x128xf32, #tpu.memory_space<hbm>>
      %dma_start3A_30 = tpu.memref_squeeze %dma_start3A_29 : memref<1x640x128xf32, #tpu.memory_space<hbm>> -> memref<640x128xf32, #tpu.memory_space<hbm>>
      %dma_start3A_31 = arith.constant 0 : i32
      %dma_start3A_32 = tpu.memref_slice %arg10[%mul3A_0, %dma_start3A_31] : memref<10240x128xf32, #tpu.memory_space<vmem_shared>> -> memref<640x128xf32, #tpu.memory_space<vmem_shared>>
      tpu.enqueue_dma source(%dma_start3A_32 : memref<640x128xf32, #tpu.memory_space<vmem_shared>>) target(%dma_start3A_30 : memref<640x128xf32, #tpu.memory_space<hbm>>) target_semaphore(%run_scoped3A : memref<!tpu.dma_semaphore, #tpu.memory_space<semaphore_mem>>)
      %dma_wait3A = arith.constant 0 : i32
      %dma_wait3A_33 = tpu.memref_slice %arg6[%arg0, %mul3A_0, %dma_wait3A] : memref<2x10240x128xf32, #tpu.memory_space<hbm>> -> memref<1x640x128xf32, #tpu.memory_space<hbm>>
      %dma_wait3A_34 = tpu.memref_squeeze %dma_wait3A_33 : memref<1x640x128xf32, #tpu.memory_space<hbm>> -> memref<640x128xf32, #tpu.memory_space<hbm>>
      %dma_wait3A_35 = arith.constant 0 : i32
      %dma_wait3A_36 = tpu.memref_slice %arg10[%mul3A_0, %dma_wait3A_35] : memref<10240x128xf32, #tpu.memory_space<vmem_shared>> -> memref<640x128xf32, #tpu.memory_space<vmem_shared>>
      tpu.wait_dma2 semaphore(%run_scoped3A : memref<!tpu.dma_semaphore, #tpu.memory_space<semaphore_mem>>) src(%dma_wait3A_36 : memref<640x128xf32, #tpu.memory_space<vmem_shared>>) dst(%dma_wait3A_34 : memref<640x128xf32, #tpu.memory_space<hbm>>)
      tpu.yield
    }) : () -> ()
    return
  }
}

module attributes {stable_mosaic.version = 14 : i64} {
  func.func @body(%arg0: i32, %arg1: memref<2000x128xf32, #tpu.memory_space<vmem>>, %arg2: memref<128x128xf32, #tpu.memory_space<vmem>>, %arg3: memref<2000x128xf32, #tpu.memory_space<vmem>>) attributes {dimension_semantics = [#tpu.dimension_semantics<arbitrary>], iteration_bounds = array<i64: 5>, scalar_prefetch = 0 : i64, scratch_operands = 0 : i64, tpu.core_type = #tpu.core_type<tc>, window_params = [{transform_indices = @transform_0, window_bounds = array<i64: 2000, 128>}, {pipeline_mode = #tpu.pipeline_mode<synchronous>, transform_indices = @transform_1, window_bounds = array<i64: 128, 128>}, {transform_indices = @transform_2, window_bounds = array<i64: 2000, 128>}]} {
    %get3A = arith.constant 0 : index
    %get3A_0 = arith.constant 0 : index
    %get3A_1 = vector.load %arg1[%get3A, %get3A_0] : memref<2000x128xf32, #tpu.memory_space<vmem>>, vector<2000x128xf32>
    %get3A_2 = arith.constant 0 : index
    %get3A_3 = arith.constant 0 : index
    %get3A_4 = vector.load %arg2[%get3A_2, %get3A_3] : memref<128x128xf32, #tpu.memory_space<vmem>>, vector<128x128xf32>
    %dot_general3A = arith.constant dense<0.000000e+00> : vector<2000x128xf32>
    %dot_general3A_5 = tpu.matmul %get3A_1, %get3A_4, %dot_general3A {dimension_numbers = #tpu.dot_dimension_numbers<[1], [1], [0], [0], [0, 0, 1, 0], [], []>, transpose_lhs_hint = false} : vector<2000x128xf32>, vector<128x128xf32>, vector<2000x128xf32> -> vector<2000x128xf32>
    %swap3A = arith.constant 0 : index
    %swap3A_6 = arith.constant 0 : index
    %swap3A_7 = vector.load %arg3[%swap3A, %swap3A_6] : memref<2000x128xf32, #tpu.memory_space<vmem>>, vector<2000x128xf32>
    tpu.vector_store %arg3[%swap3A, %swap3A_6], %dot_general3A_5 {strides = array<i32>} : memref<2000x128xf32, #tpu.memory_space<vmem>>, vector<2000x128xf32>,
    return
  }
  func.func @transform_0(%arg0: i32) -> (i32, i32) {
    %c0_i32 = arith.constant 0 : i32
    %c0_i32_0 = arith.constant 0 : i32
    return %arg0, %c0_i32 : i32, i32
  }
  func.func @transform_1(%arg0: i32) -> (i32, i32) {
    %c0_i32 = arith.constant 0 : i32
    %c0_i32_0 = arith.constant 0 : i32
    %c0_i32_1 = arith.constant 0 : i32
    return %c0_i32, %c0_i32_0 : i32, i32
  }
  func.func @transform_2(%arg0: i32) -> (i32, i32) {
    %c0_i32 = arith.constant 0 : i32
    %c0_i32_0 = arith.constant 0 : i32
    return %arg0, %c0_i32 : i32, i32
  }
}

module attributes {stable_mosaic.version = 14 : i64} {
  func.func @body(%arg0: i32, %arg1: memref<2000x128xf32, #tpu.memory_space<vmem>>, %arg2: memref<2x2000x16xf32, #tpu.memory_space<vmem>>, %arg3: memref<2000x128xf32, #tpu.memory_space<vmem>>) attributes {dimension_semantics = [#tpu.dimension_semantics<arbitrary>], iteration_bounds = array<i64: 5>, scalar_prefetch = 0 : i64, scratch_operands = 0 : i64, tpu.core_type = #tpu.core_type<tc>, window_params = [{transform_indices = @transform_0, window_bounds = array<i64: 2000, 128>}, {transform_indices = @transform_1, window_bounds = array<i64: 2, 2000, 16>}, {transform_indices = @transform_2, window_bounds = array<i64: 2000, 128>}]} {
    %get3A = arith.constant 0 : index
    %get3A_0 = arith.constant 0 : index
    %get3A_1 = arith.constant 0 : index
    %get3A_2 = vector.load %arg2[%get3A, %get3A_0, %get3A_1] : memref<2x2000x16xf32, #tpu.memory_space<vmem>>, vector<1x2000x1xf32>
    %get3A_3 = vector.shape_cast %get3A_2 : vector<1x2000x1xf32> to vector<2000xf32>
    %get3A_4 = arith.constant 1 : index
    %get3A_5 = arith.constant 0 : index
    %get3A_6 = arith.constant 0 : index
    %get3A_7 = vector.load %arg2[%get3A_4, %get3A_5, %get3A_6] : memref<2x2000x16xf32, #tpu.memory_space<vmem>>, vector<1x2000x1xf32>
    %get3A_8 = vector.shape_cast %get3A_7 : vector<1x2000x1xf32> to vector<2000xf32>
    %add3A = arith.addf %get3A_3, %get3A_8 : vector<2000xf32>
    %add3A_9 = arith.constant 1.000000e+00 : f32
    %add3A_10 = vector.broadcast %add3A_9 : f32 to vector<2000xf32>
    %add3A_11 = arith.addf %add3A, %add3A_10 : vector<2000xf32>
    %rsqrt3A = math.rsqrt %add3A_11 : vector<2000xf32>
    %get3A_12 = arith.constant 0 : index
    %get3A_13 = arith.constant 0 : index
    %get3A_14 = vector.load %arg1[%get3A_12, %get3A_13] : memref<2000x128xf32, #tpu.memory_space<vmem>>, vector<2000x128xf32>
    %broadcast_in_dim3A = vector.shape_cast %rsqrt3A : vector<2000xf32> to vector<2000x1xf32>
    %mul3A = vector.broadcast %broadcast_in_dim3A : vector<2000x1xf32> to vector<2000x128xf32>
    %mul3A_15 = arith.mulf %get3A_14, %mul3A : vector<2000x128xf32>
    %swap3A = arith.constant 0 : index
    %swap3A_16 = arith.constant 0 : index
    %swap3A_17 = vector.load %arg3[%swap3A, %swap3A_16] : memref<2000x128xf32, #tpu.memory_space<vmem>>, vector<2000x128xf32>
    tpu.vector_store %arg3[%swap3A, %swap3A_16], %mul3A_15 {strides = array<i32>} : memref<2000x128xf32, #tpu.memory_space<vmem>>, vector<2000x128xf32>,
    return
  }
  func.func @transform_0(%arg0: i32) -> (i32, i32) {
    %c0_i32 = arith.constant 0 : i32
    %c0_i32_0 = arith.constant 0 : i32
    return %arg0, %c0_i32 : i32, i32
  }
  func.func @transform_1(%arg0: i32) -> (i32, i32, i32) {
    %c0_i32 = arith.constant 0 : i32
    %c0_i32_0 = arith.constant 0 : i32
    %c0_i32_1 = arith.constant 0 : i32
    return %c0_i32, %arg0, %c0_i32_0 : i32, i32, i32
  }
  func.func @transform_2(%arg0: i32) -> (i32, i32) {
    %c0_i32 = arith.constant 0 : i32
    %c0_i32_0 = arith.constant 0 : i32
    return %arg0, %c0_i32 : i32, i32
  }
}

module attributes {stable_mosaic.version = 14 : i64} {
  func.func @body(%arg0: i32, %arg1: memref<2000x128xf32, #tpu.memory_space<vmem>>, %arg2: memref<2x2000x128xf32, #tpu.memory_space<vmem>>, %arg3: memref<2x2000x16xf32, #tpu.memory_space<vmem>>, %arg4: memref<128x128xf32, #tpu.memory_space<vmem>>, %arg5: memref<1x128xf32, #tpu.memory_space<vmem>>, %arg6: memref<2000x128xf32, #tpu.memory_space<vmem>>) attributes {dimension_semantics = [#tpu.dimension_semantics<arbitrary>], iteration_bounds = array<i64: 5>, scalar_prefetch = 0 : i64, scratch_operands = 0 : i64, tpu.core_type = #tpu.core_type<tc>, window_params = [{transform_indices = @transform_0, window_bounds = array<i64: 2000, 128>}, {transform_indices = @transform_1, window_bounds = array<i64: 2, 2000, 128>}, {transform_indices = @transform_2, window_bounds = array<i64: 2, 2000, 16>}, {pipeline_mode = #tpu.pipeline_mode<synchronous>, transform_indices = @transform_3, window_bounds = array<i64: 128, 128>}, {pipeline_mode = #tpu.pipeline_mode<synchronous>, transform_indices = @transform_4, window_bounds = array<i64: 1, 128>}, {transform_indices = @transform_5, window_bounds = array<i64: 2000, 128>}]} {
    %get3A = arith.constant 0 : index
    %get3A_0 = arith.constant 0 : index
    %get3A_1 = arith.constant 0 : index
    %get3A_2 = vector.load %arg3[%get3A, %get3A_0, %get3A_1] : memref<2x2000x16xf32, #tpu.memory_space<vmem>>, vector<1x2000x1xf32>
    %get3A_3 = vector.shape_cast %get3A_2 : vector<1x2000x1xf32> to vector<2000xf32>
    %get3A_4 = arith.constant 1 : index
    %get3A_5 = arith.constant 0 : index
    %get3A_6 = arith.constant 0 : index
    %get3A_7 = vector.load %arg3[%get3A_4, %get3A_5, %get3A_6] : memref<2x2000x16xf32, #tpu.memory_space<vmem>>, vector<1x2000x1xf32>
    %get3A_8 = vector.shape_cast %get3A_7 : vector<1x2000x1xf32> to vector<2000xf32>
    %add3A = arith.addf %get3A_3, %get3A_8 : vector<2000xf32>
    %add3A_9 = arith.constant 1.000000e+00 : f32
    %add3A_10 = vector.broadcast %add3A_9 : f32 to vector<2000xf32>
    %add3A_11 = arith.addf %add3A, %add3A_10 : vector<2000xf32>
    %rsqrt3A = math.rsqrt %add3A_11 : vector<2000xf32>
    %get3A_12 = arith.constant 0 : index
    %get3A_13 = arith.constant 0 : index
    %get3A_14 = arith.constant 0 : index
    %get3A_15 = vector.load %arg2[%get3A_12, %get3A_13, %get3A_14] : memref<2x2000x128xf32, #tpu.memory_space<vmem>>, vector<1x2000x128xf32>
    %get3A_16 = vector.shape_cast %get3A_15 : vector<1x2000x128xf32> to vector<2000x128xf32>
    %get3A_17 = arith.constant 1 : index
    %get3A_18 = arith.constant 0 : index
    %get3A_19 = arith.constant 0 : index
    %get3A_20 = vector.load %arg2[%get3A_17, %get3A_18, %get3A_19] : memref<2x2000x128xf32, #tpu.memory_space<vmem>>, vector<1x2000x128xf32>
    %get3A_21 = vector.shape_cast %get3A_20 : vector<1x2000x128xf32> to vector<2000x128xf32>
    %add3A_22 = arith.addf %get3A_16, %get3A_21 : vector<2000x128xf32>
    %get3A_23 = arith.constant 0 : index
    %get3A_24 = arith.constant 0 : index
    %get3A_25 = vector.load %arg1[%get3A_23, %get3A_24] : memref<2000x128xf32, #tpu.memory_space<vmem>>, vector<2000x128xf32>
    %add3A_26 = arith.addf %add3A_22, %get3A_25 : vector<2000x128xf32>
    %broadcast_in_dim3A = vector.shape_cast %rsqrt3A : vector<2000xf32> to vector<2000x1xf32>
    %mul3A = vector.broadcast %broadcast_in_dim3A : vector<2000x1xf32> to vector<2000x128xf32>
    %mul3A_27 = arith.mulf %add3A_26, %mul3A : vector<2000x128xf32>
    %get3A_28 = arith.constant 0 : index
    %get3A_29 = arith.constant 0 : index
    %get3A_30 = vector.load %arg5[%get3A_28, %get3A_29] : memref<1x128xf32, #tpu.memory_space<vmem>>, vector<1x128xf32>
    %add3A_31 = vector.broadcast %get3A_30 : vector<1x128xf32> to vector<2000x128xf32>
    %add3A_32 = arith.addf %mul3A_27, %add3A_31 : vector<2000x128xf32>
    %max3A = arith.constant 0.000000e+00 : f32
    %max3A_33 = vector.broadcast %max3A : f32 to vector<2000x128xf32>
    %max3A_34 = arith.maximumf %add3A_32, %max3A_33 : vector<2000x128xf32>
    %get3A_35 = arith.constant 0 : index
    %get3A_36 = arith.constant 0 : index
    %get3A_37 = vector.load %arg4[%get3A_35, %get3A_36] : memref<128x128xf32, #tpu.memory_space<vmem>>, vector<128x128xf32>
    %dot_general3A = arith.constant dense<0.000000e+00> : vector<2000x128xf32>
    %dot_general3A_38 = tpu.matmul %max3A_34, %get3A_37, %dot_general3A {dimension_numbers = #tpu.dot_dimension_numbers<[1], [1], [0], [0], [0, 0, 1, 0], [], []>, transpose_lhs_hint = false} : vector<2000x128xf32>, vector<128x128xf32>, vector<2000x128xf32> -> vector<2000x128xf32>
    %broadcast_in_dim3A_39 = vector.shape_cast %rsqrt3A : vector<2000xf32> to vector<2000x1xf32>
    %mul3A_40 = vector.broadcast %broadcast_in_dim3A_39 : vector<2000x1xf32> to vector<2000x128xf32>
    %mul3A_41 = arith.mulf %dot_general3A_38, %mul3A_40 : vector<2000x128xf32>
    %swap3A = arith.constant 0 : index
    %swap3A_42 = arith.constant 0 : index
    %swap3A_43 = vector.load %arg6[%swap3A, %swap3A_42] : memref<2000x128xf32, #tpu.memory_space<vmem>>, vector<2000x128xf32>
    tpu.vector_store %arg6[%swap3A, %swap3A_42], %mul3A_41 {strides = array<i32>} : memref<2000x128xf32, #tpu.memory_space<vmem>>, vector<2000x128xf32>,
    return
  }
  func.func @transform_0(%arg0: i32) -> (i32, i32) {
    %c0_i32 = arith.constant 0 : i32
    %c0_i32_0 = arith.constant 0 : i32
    return %arg0, %c0_i32 : i32, i32
  }
  func.func @transform_1(%arg0: i32) -> (i32, i32, i32) {
    %c0_i32 = arith.constant 0 : i32
    %c0_i32_0 = arith.constant 0 : i32
    %c0_i32_1 = arith.constant 0 : i32
    return %c0_i32, %arg0, %c0_i32_0 : i32, i32, i32
  }
  func.func @transform_2(%arg0: i32) -> (i32, i32, i32) {
    %c0_i32 = arith.constant 0 : i32
    %c0_i32_0 = arith.constant 0 : i32
    %c0_i32_1 = arith.constant 0 : i32
    return %c0_i32, %arg0, %c0_i32_0 : i32, i32, i32
  }
  func.func @transform_3(%arg0: i32) -> (i32, i32) {
    %c0_i32 = arith.constant 0 : i32
    %c0_i32_0 = arith.constant 0 : i32
    %c0_i32_1 = arith.constant 0 : i32
    return %c0_i32, %c0_i32_0 : i32, i32
  }
  func.func @transform_4(%arg0: i32) -> (i32, i32) {
    %c0_i32 = arith.constant 0 : i32
    %c0_i32_0 = arith.constant 0 : i32
    %c0_i32_1 = arith.constant 0 : i32
    return %c0_i32, %c0_i32_0 : i32, i32
  }
  func.func @transform_5(%arg0: i32) -> (i32, i32) {
    %c0_i32 = arith.constant 0 : i32
    %c0_i32_0 = arith.constant 0 : i32
    return %arg0, %c0_i32 : i32, i32
  }
}

module attributes {stable_mosaic.version = 14 : i64} {
  func.func @body(%arg0: i32, %arg1: memref<2000x128xf32, #tpu.memory_space<vmem>>, %arg2: memref<2x2000x128xf32, #tpu.memory_space<vmem>>, %arg3: memref<2x2000x16xf32, #tpu.memory_space<vmem>>, %arg4: memref<1x128xf32, #tpu.memory_space<vmem>>, %arg5: memref<2000x128xf32, #tpu.memory_space<vmem>>) attributes {dimension_semantics = [#tpu.dimension_semantics<arbitrary>], iteration_bounds = array<i64: 5>, scalar_prefetch = 0 : i64, scratch_operands = 0 : i64, tpu.core_type = #tpu.core_type<tc>, window_params = [{transform_indices = @transform_0, window_bounds = array<i64: 2000, 128>}, {transform_indices = @transform_1, window_bounds = array<i64: 2, 2000, 128>}, {transform_indices = @transform_2, window_bounds = array<i64: 2, 2000, 16>}, {pipeline_mode = #tpu.pipeline_mode<synchronous>, transform_indices = @transform_3, window_bounds = array<i64: 1, 128>}, {transform_indices = @transform_4, window_bounds = array<i64: 2000, 128>}]} {
    %get3A = arith.constant 0 : index
    %get3A_0 = arith.constant 0 : index
    %get3A_1 = arith.constant 0 : index
    %get3A_2 = vector.load %arg3[%get3A, %get3A_0, %get3A_1] : memref<2x2000x16xf32, #tpu.memory_space<vmem>>, vector<1x2000x1xf32>
    %get3A_3 = vector.shape_cast %get3A_2 : vector<1x2000x1xf32> to vector<2000xf32>
    %get3A_4 = arith.constant 1 : index
    %get3A_5 = arith.constant 0 : index
    %get3A_6 = arith.constant 0 : index
    %get3A_7 = vector.load %arg3[%get3A_4, %get3A_5, %get3A_6] : memref<2x2000x16xf32, #tpu.memory_space<vmem>>, vector<1x2000x1xf32>
    %get3A_8 = vector.shape_cast %get3A_7 : vector<1x2000x1xf32> to vector<2000xf32>
    %add3A = arith.addf %get3A_3, %get3A_8 : vector<2000xf32>
    %add3A_9 = arith.constant 1.000000e+00 : f32
    %add3A_10 = vector.broadcast %add3A_9 : f32 to vector<2000xf32>
    %add3A_11 = arith.addf %add3A, %add3A_10 : vector<2000xf32>
    %rsqrt3A = math.rsqrt %add3A_11 : vector<2000xf32>
    %get3A_12 = arith.constant 0 : index
    %get3A_13 = arith.constant 0 : index
    %get3A_14 = arith.constant 0 : index
    %get3A_15 = vector.load %arg2[%get3A_12, %get3A_13, %get3A_14] : memref<2x2000x128xf32, #tpu.memory_space<vmem>>, vector<1x2000x128xf32>
    %get3A_16 = vector.shape_cast %get3A_15 : vector<1x2000x128xf32> to vector<2000x128xf32>
    %get3A_17 = arith.constant 1 : index
    %get3A_18 = arith.constant 0 : index
    %get3A_19 = arith.constant 0 : index
    %get3A_20 = vector.load %arg2[%get3A_17, %get3A_18, %get3A_19] : memref<2x2000x128xf32, #tpu.memory_space<vmem>>, vector<1x2000x128xf32>
    %get3A_21 = vector.shape_cast %get3A_20 : vector<1x2000x128xf32> to vector<2000x128xf32>
    %add3A_22 = arith.addf %get3A_16, %get3A_21 : vector<2000x128xf32>
    %get3A_23 = arith.constant 0 : index
    %get3A_24 = arith.constant 0 : index
    %get3A_25 = vector.load %arg1[%get3A_23, %get3A_24] : memref<2000x128xf32, #tpu.memory_space<vmem>>, vector<2000x128xf32>
    %add3A_26 = arith.addf %add3A_22, %get3A_25 : vector<2000x128xf32>
    %broadcast_in_dim3A = vector.shape_cast %rsqrt3A : vector<2000xf32> to vector<2000x1xf32>
    %mul3A = vector.broadcast %broadcast_in_dim3A : vector<2000x1xf32> to vector<2000x128xf32>
    %mul3A_27 = arith.mulf %add3A_26, %mul3A : vector<2000x128xf32>
    %get3A_28 = arith.constant 0 : index
    %get3A_29 = arith.constant 0 : index
    %get3A_30 = vector.load %arg4[%get3A_28, %get3A_29] : memref<1x128xf32, #tpu.memory_space<vmem>>, vector<1x128xf32>
    %add3A_31 = vector.broadcast %get3A_30 : vector<1x128xf32> to vector<2000x128xf32>
    %add3A_32 = arith.addf %mul3A_27, %add3A_31 : vector<2000x128xf32>
    %logistic3A = arith.negf %add3A_32 : vector<2000x128xf32>
    %logistic3A_33 = math.exp %logistic3A : vector<2000x128xf32>
    %logistic3A_34 = arith.constant 1.000000e+00 : f32
    %logistic3A_35 = vector.broadcast %logistic3A_34 : f32 to vector<2000x128xf32>
    %logistic3A_36 = arith.addf %logistic3A_35, %logistic3A_33 : vector<2000x128xf32>
    %logistic3A_37 = arith.divf %logistic3A_35, %logistic3A_36 : vector<2000x128xf32>
    %swap3A = arith.constant 0 : index
    %swap3A_38 = arith.constant 0 : index
    %swap3A_39 = vector.load %arg5[%swap3A, %swap3A_38] : memref<2000x128xf32, #tpu.memory_space<vmem>>, vector<2000x128xf32>
    tpu.vector_store %arg5[%swap3A, %swap3A_38], %logistic3A_37 {strides = array<i32>} : memref<2000x128xf32, #tpu.memory_space<vmem>>, vector<2000x128xf32>,
    return
  }
  func.func @transform_0(%arg0: i32) -> (i32, i32) {
    %c0_i32 = arith.constant 0 : i32
    %c0_i32_0 = arith.constant 0 : i32
    return %arg0, %c0_i32 : i32, i32
  }
  func.func @transform_1(%arg0: i32) -> (i32, i32, i32) {
    %c0_i32 = arith.constant 0 : i32
    %c0_i32_0 = arith.constant 0 : i32
    %c0_i32_1 = arith.constant 0 : i32
    return %c0_i32, %arg0, %c0_i32_0 : i32, i32, i32
  }
  func.func @transform_2(%arg0: i32) -> (i32, i32, i32) {
    %c0_i32 = arith.constant 0 : i32
    %c0_i32_0 = arith.constant 0 : i32
    %c0_i32_1 = arith.constant 0 : i32
    return %c0_i32, %arg0, %c0_i32_0 : i32, i32, i32
  }
  func.func @transform_3(%arg0: i32) -> (i32, i32) {
    %c0_i32 = arith.constant 0 : i32
    %c0_i32_0 = arith.constant 0 : i32
    %c0_i32_1 = arith.constant 0 : i32
    return %c0_i32, %c0_i32_0 : i32, i32
  }
  func.func @transform_4(%arg0: i32) -> (i32, i32) {
    %c0_i32 = arith.constant 0 : i32
    %c0_i32_0 = arith.constant 0 : i32
    return %arg0, %c0_i32 : i32, i32
  }
}

</mosaic_0001>

<sc_bundles>
// kernel: kernel.12.cloned.1.call-start
scs
__scs_entry_jumppad:
0x0: {  	(pc) =	sbr.rel $0x88, $3  }
0x1: {  	(tag) =	ssettag $0x0;
	lr =	simm.s32 $0x1  }
0x2: {  	[smem:$0x3F9B] =	sst lr;
	_ =	strace $0xD0000000  }
0x3: {  	_ = 	snop  }
0x4: {  	_ = 	snop  }
0x5: {  	_ = 	snop  }
0x6: {  	_ = 	snop  }
0x7: {  	_ = 	snop  }
__scs_overlays_trampoline_lowered:
0x8: {  	[smem:$0x3FAA] =	sst s0  }
0x9: {  	[smem:$0x3FAB] =	sst s1  }
0xa: {  	[smem:$0x3FAC] =	sst s2  }
0xb: {  	[smem:$0x3FAD] =	sst s3  }
0xc: {  	[smem:$0x3FAE] =	sst s4  }
0xd: {  	[smem:$0x3FAF] =	sst s5  }
0xe: {  	[smem:$0x3FB0] =	sst s6  }
0xf: {  	[smem:$0x3FB1] =	sst s7  }
0x10: {  	[smem:$0x3FB2] =	sst s8  }
0x11: {  	[smem:$0x3FB3] =	sst s9;
	s0 =	simm.s32 @!p0 $0x0  }
0x12: {  	s1 =	sld [smem:$0x3F99];
	s0 =	simm.s32 @p0 $0x1  }
0x13: {  	[smem:$0x3FB4] =	sst s0;
	s0 =	simm.s32 @!p1 $0x0  }
0x14: {  	s2 =	sld [smem:$0x3F98];
	s0 =	simm.s32 @p1 $0x1  }
0x15: {  	[smem:$0x3FB5] =	sst s0;
	s0 =	simm.s32 @!p2 $0x0  }
0x16: {  	s3 =	sld [smem:$0x3FDB];
	s0 =	simm.s32 @p2 $0x1  }
0x17: {  	s4 =	simm.s32 $0x1BF5;
	[smem:$0x3FB7] =	sst s0  }
0x18: {  	s0 =	sld [smem:$0x3F9A];
	_ =	swait.ge [sflag:s4], $0x0  }
0x19: {  	s7 =	sld [smem:$0x3F9B]  }
0x1a: {  	s8 =	sadd.s32 $0xFFFFE003, lr  }
0x1b: {  	s9 =	sadd.s32 $0xFFFFFEF7, lr;
	s5 =	simm.s32 $0xFFFFFFFF;
	p2 =	slt.u32 s8, $0xFFFFF086  }
0x1c: {  	p1 =	slt.u32 s9, $0xF7A;
	s5 =	simm.s32 @!p2 $0x0  }
0x1d: {  	s5 =	simm.s32 @p1 $0x1;
	p0 =	seq.s32 s7, s2  }
0x1e: {  	s7 =	smul.u32 @!p0 $0xF7A, s2;
	p2 =	seq.s32 @!p0 s5, $0x0  }
0x1f: {  	s9 =	smul.u32 $0xF7A, s1;
	s8 =	simm.s32 @!p0 $0x1BF5;
	p2 =	por !p2, p0  }
0x20: {  	[sflag:s8] =	ssyncset.s32 @!p0 $0xFFFFF086;
	s6 =	sadd.s32 @!p0 s3, s7;
	s7 =	simm.s32 @!p0 $0x108  }
0x21: {  	s3 =	sadd.s32 s3, s9;
	s6 =	sadd.s32 @!p0 $0x88, s6;
	s7 =	simm.s32 @p2 $0x1082  }
0x22: {  	[simem:s7], [sflag:s8] =	dma.local @!p0 [hbm:s6], $0xF7A  }
0x23: {  	s9 =	sor.u32 $0xD0000000, s2;
	s6 =	simm.s32 $0x108;
	_ =	swait.ge @!p0 [sflag:s8], $0x0  }
0x24: {  	s3 =	sadd.s32 $0x88, s3;
	s6 =	simm.s32 @!p1 $0x1082;
	[sflag:s4] =	ssyncset.s32 $0xFFFFF086  }
0x25: {  	[simem:s6], [sflag:s4] =	dma.local [hbm:s3], $0xF7A  }
0x26: {  	[smem:$0x3F9B] =	sst s1;
	(tag) =	ssettag s2;
	_ =	strace s9  }
0x27: {  	s1 =	sld [smem:$0x3FAB]  }
0x28: {  	s2 =	sld [smem:$0x3FAC]  }
0x29: {  	s4 =	sld [smem:$0x3FAE]  }
0x2a: {  	p0 =	seq.s32 s5, $0x0;
	s5 =	sld [smem:$0x3FAF]  }
0x2b: {  	s6 =	sld [smem:$0x3FB0]  }
0x2c: {  	s7 =	sld [smem:$0x3FB1]  }
0x2d: {  	s3 =	simm.s32 $0x108;
	s8 =	sld [smem:$0x3FB2]  }
0x2e: {  	s3 =	simm.s32 @!p0 $0x1082;
	s9 =	sld [smem:$0x3FB3]  }
0x2f: {  	lr =	sadd.s32 s0, s3;
	s0 =	sld [smem:$0x3FAA]  }
0x30: {  	s3 =	sld [smem:$0x3FAD]  }
0x31: {  	[smem:$0x3FB6] =	sst s10  }
0x32: {  	s10 =	sld [smem:$0x3FB4];
	_ =	sdelay $0x3  }
0x33: {  	p0 =	seq.s32 s10, $0x1;
	s10 =	sld [smem:$0x3FB6];
	_ =	sdelay $0x3  }
0x34: {  	[smem:$0x3FB6] =	sst s10  }
0x35: {  	s10 =	sld [smem:$0x3FB5];
	_ =	sdelay $0x3  }
0x36: {  	p1 =	seq.s32 s10, $0x1;
	s10 =	sld [smem:$0x3FB6];
	_ =	sdelay $0x3  }
0x37: {  	[smem:$0x3FB6] =	sst s10  }
0x38: {  	s10 =	sld [smem:$0x3FB7]  }
0x39: {  	_ = 	snop;
	(pc) =	sbr.ind lr, $3  }
0x3a: {  	_ = 	snop  }
0x3b: {  	_ = 	snop  }
0x3c: {  	p2 =	seq.s32 s10, $0x1;
	s10 =	sld [smem:$0x3FB6]  }
0x3d: {  	_ =	shalt  }
0x3e: {  	_ =	shalt  }
0x3f: {  	_ =	shalt  }
0x40: {  	_ =	shalt  }
0x41: {  	_ =	shalt  }
0x42: {  	_ =	shalt  }
0x43: {  	_ =	shalt  }
0x44: {  	_ =	shalt  }
0x45: {  	_ =	shalt  }
0x46: {  	_ =	shalt  }
0x47: {  	_ =	shalt  }
0x48: {  	_ =	shalt  }
0x49: {  	_ =	shalt  }
0x4a: {  	_ =	shalt  }
0x4b: {  	_ =	shalt  }
0x4c: {  	_ =	shalt  }
0x4d: {  	_ =	shalt  }
0x4e: {  	_ =	shalt  }
0x4f: {  	_ =	shalt  }
0x50: {  	_ =	shalt  }
0x51: {  	_ =	shalt  }
0x52: {  	_ =	shalt  }
0x53: {  	_ =	shalt  }
0x54: {  	_ =	shalt  }
0x55: {  	_ =	shalt  }
0x56: {  	_ =	shalt  }
0x57: {  	_ =	shalt  }
0x58: {  	_ =	shalt  }
0x59: {  	_ =	shalt  }
0x5a: {  	_ =	shalt  }
0x5b: {  	_ =	shalt  }
0x5c: {  	_ =	shalt  }
0x5d: {  	_ =	shalt  }
0x5e: {  	_ =	shalt  }
0x5f: {  	_ =	shalt  }
0x60: {  	_ =	shalt  }
0x61: {  	_ =	shalt  }
0x62: {  	_ =	shalt  }
0x63: {  	_ =	shalt  }
0x64: {  	_ =	shalt  }
0x65: {  	_ =	shalt  }
0x66: {  	_ =	shalt  }
0x67: {  	_ =	shalt  }
0x68: {  	_ =	shalt  }
0x69: {  	_ =	shalt  }
0x6a: {  	_ =	shalt  }
0x6b: {  	_ =	shalt  }
0x6c: {  	_ =	shalt  }
0x6d: {  	_ =	shalt  }
0x6e: {  	_ =	shalt  }
0x6f: {  	_ =	shalt  }
0x70: {  	_ =	shalt  }
0x71: {  	_ =	shalt  }
0x72: {  	_ =	shalt  }
0x73: {  	_ =	shalt  }
0x74: {  	_ =	shalt  }
0x75: {  	_ =	shalt  }
0x76: {  	_ =	shalt  }
0x77: {  	_ =	shalt  }
0x78: {  	_ =	shalt  }
0x79: {  	_ =	shalt  }
0x7a: {  	_ =	shalt  }
0x7b: {  	_ =	shalt  }
0x7c: {  	_ =	shalt  }
0x7d: {  	_ =	shalt  }
0x7e: {  	_ =	shalt  }
0x7f: {  	_ =	shalt  }
0x80: {  	_ =	shalt  }
0x81: {  	_ =	shalt  }
0x82: {  	_ =	shalt  }
0x83: {  	_ =	shalt  }
0x84: {  	_ =	shalt  }
0x85: {  	_ =	shalt  }
0x86: {  	_ =	shalt  }
0x87: {  	_ =	shalt  }
.Lfunc_end0:
.L_simem_size_0:
called_computation.1_lowered:
.L_overlay_start_0:
0x88: {  	s2 =	sld [smem:$0x3FD9]  }
0x89: {  	s3 =	sld [smem:$0x3FFE];
	_ =	sdelay $0x1  }
0x8a: {  	s1 =	srdreg.scid  }
0x8b: {  	s0 =	sand.u32 $0x1, s1  }
0x8c: {  	s17 =	sshll.u32 s0, $0xA;
	s2 =	sadd.s32 s3, s2  }
0x8d: {  	s2 =	sadd.s32 s2, s17  }
0x8e: {  	[smem:$0x3FC2] =	sst s2  }
0x8f: {  	_ = 	snop  }
0x90: {  	s2 =	sld [smem:$0x3FD0];
	(tm) =	ssettm $0x1  }
0x91: {  	s18 =	sld [smem:$0x3FFB];
	_ =	sdelay $0x3  }
0x92: {  	_ =	strace s18  }
0x93: {  	s3 =	sld [smem:$0x3FFC];
	_ =	sdelay $0x3  }
0x94: {  	_ =	strace s3  }
0x95: {  	s3 =	sld [smem:$0x3FFD];
	_ =	sdelay $0x3  }
0x96: {  	_ =	strace s3  }
0x97: {  	_ =	strace $0x8FFFFFFF  }
0x98: {  	s19 =	sld [smem:$0x3FDB];
	_ =	sdelay $0x1  }
0x99: {  	s4 =	simm.s32 $_scs_section_size  }
0x9a: {  	s5 =	simm.s32 $_size__tile_overlayer_lowered;
	s6 =	simm.s32 $_tile_overlayer_lowered  }
0x9b: {  	s22 =	simm.s32 $0x1BFF;
	s21 =	sshll.u32 s6, $0x1;
	s3 =	sadd.s32 s4, s19  }
0x9c: {  	s7 =	simm.s32 $0x0;
	s20 =	sshll.u32 s5, $0x1;
	s5 =	sadd.s32 s21, s3  }
0x9d: {  	[timem:s7], [sflag:s22] =	dma.local [hbm:s5], s20  }
0x9e: {  	_ =	swait.ge [sflag:s22], s20  }
0x9f: {  	s4 =	ssub.s32 $0x0, s20;
	[sflag:s22] =	ssyncset.done $0x0  }
0xa0: {  	[sflag:s22] =	ssyncadd.s32 s4;
	_ =	sdelay $0x1  }
0xa1: {  	s23 =	simm.s32 $0x1B8B  }
0xa2: {  	_ =	swait.ge [sflag:s23], $0x1  }
0xa3: {  	[sflag:s23] =	ssyncset.done $0x0  }
0xa4: {  	s25 =	simm.s32 $0x1B8E;
	s24 =	sld [smem:$0x3FFE];
	[sflag:s23] =	ssyncadd.s32 $0xFFFFFFFF  }
0xa5: {  	s26 =	simm.s32 $execute0_lowered;
	[smem:$0x3FD2] =	sst s25  }
0xa6: {  	s5 =	sshll.u32 s26, $0x1;
	_ =	strace $0x80000049;
	[dreg:$0x1] =	wrdreg $0xFFFFFFFF  }
0xa7: {  	s28 =	simm.s32 $_size_execute0_lowered;
	s3 =	sadd.s32 s3, s5;
	[dreg:$0x0] =	wrdreg $0x0  }
0xa8: {  	s5 =	sshll.u32 s28, $0x1;
	[dreg:$0x2] =	wrdreg s3  }
0xa9: {  	[dreg:$0x3] =	wrdreg s5  }
0xaa: {  	[dreg:$0x4] =	wrdreg $0xC0  }
0xab: {  	_ =	task [dreg:s7], $0x5FFFF  }
0xac: {  	[dreg:$0x1] =	wrdreg $0xFFFFFFFF  }
0xad: {  	[dreg:$0x0] =	wrdreg $0x60  }
0xae: {  	[dreg:$0x2] =	wrdreg s2  }
0xaf: {  	[dreg:$0x3] =	wrdreg s24  }
0xb0: {  	[dreg:$0x4] =	wrdreg $0x82000  }
0xb1: {  	[dreg:$0x5] =	wrdreg $0x9  }
0xb2: {  	_ =	task.clear_ibuf [dreg:s7], $0x6FFFF;
	_ =	strace $0x90000049  }
0xb3: {  	s29 =	simm.s32 $0x9;
	_ =	strace $0x8000004B  }
0xb4: {  	_ =	swait.ge [sflag:s29], $0x1  }
0xb5: {  	[sflag:s29] =	ssyncadd.s32 $0xFFFFFFFF  }
0xb6: {  	_ =	strace $0x9000004B  }
0xb7: {  	_ =	sfence  }
0xb8: {  	s30 =	sld [smem:$0x0];
	_ =	sdelay $0x2  }
0xb9: {  	s31 =	sshll.u32 s1, $0xD;
	s1 =	sshrl.u32 s1, $0x2  }
0xba: {  	s3 =	sand.u32 $0x4000, s31;
	s1 =	sadd.s32 s1, s30  }
0xbb: {  	s0 =	sor.u32 s3, s0;
	s1 =	sshll.u32 s1, $0x11  }
0xbc: {  	s0 =	sor.u32 s1, s0  }
0xbd: {  	s0 =	sadd.s32 $0x8F2B, s0  }
0xbe: {  	[sflag:s0] =	ssyncadd.remote.s32 $0x1  }
0xbf: {  	_ =	sfence.sel $0xFFFF  }
0xc0: {  	[dreg:$0x0] =	wrdreg $0xFFFFFFFF;
	(pc) =	sbr.abs _section_cstart, $3  }
0xc1: {  	[dreg:$0x1] =	wrdreg $0xFFFFFFFF  }
0xc2: {  	_ =	task.clear_ibuf [dreg:s7], $0x2FFFF;
	_ =	strace $0x9FFFFFFF  }
0xc3: {  	(tm) =	ssettm $0x7FFFFFFF  }
tec
execute0_lowered:
.L_overlay_start_1:
0x0: {  	(tag) =	ssettag $0x1  }
0x1: {  	s1 =	rddreg [dreg:$0x0]  }
0x2: {  	s7 =	rddreg [dreg:$0x1]  }
0x3: {  	s3 =	rddreg [dreg:$0x2]  }
0x4: {  	s0 =	rddreg [dreg:$0x3];
	s4 =	simm.s32 $0x0;
	s2 =	stileid.u32  }
0x5: {  	s5 =	srdreg.scid;
	s17 =	simm.s32 $0x200;
	s8 =	smul.u32 $0x14000, s2  }
0x6: {  	s18 =	simm.s32 $0x1;
	s19 =	simm.s32 $0x0;
	s12 =	smul.u32 $0x1FFFFBC, s2  }
0x7: {  	[smem:$0x7FF] =	sst s4;
	s9 =	sand.u32 $0x1, s5;
	s14 =	smul.u32 $0x50000, s2  }
0x8: {  	s5 =	sadd.s32 $0x84000, s7;
	s6 =	sadd.s32 $0x2200, s7;
	s16 =	smul.u32 $0x710, s2  }
0x9: {  	s30 =	sshll.u32 s2, $0x6;
	_ =	strace $0x8000004A;
	s10 =	smul.u32 $0x140000, s9  }
0xa: {  	s24 =	ssub.s32 $0x2, s9;
	s28 =	smul.u32 $0x44, s9;
	s11 =	sshrl.u32 s8, $0x3  }
0xb: {  	s13 =	sshrl.u32 s24, $0x1;
	s25 =	sadd.s32 $0x710, s12;
	s26 =	sshrl.u32 s14, $0x2  }
0xc: {  	s8 =	sadd.s32 s8, s10;
	s11 =	sadd.s32 s11, s7;
	s10 =	ssub.s32 s24, s13  }
0xd: {  	s29 =	sadd.s32 s26, s3;
	s31 =	smul.u32 s9, s25;
	s8 =	sshrl.u32 s8, $0x3  }
0xe: {  	s10 =	smax.u32 s10, $0x1;
	s13 =	sshrl.u32 s29, $0x3;
	s15 =	sadd.s32 s8, s7  }
0xf: {  	s7 =	sadd.s32 $0xC000, s11;
	s8 =	sor.u32 $0x1C02, s30;
	s14 =	sshll.u32 s31, $0x4  }
0x10: {  	s11 =	ssub.s32 $0x71, s28;
	s9 =	sadd.s32 $0x8DE00, s15;
	s12 =	sadd.s32 s16, s14  }
0x11: {  	s14 =	simm.s32 $0x2;
	s15 =	simm.s32 $0x100;
	s16 =	simm.s32 $0x80  }
.LBB2_1:
0x12: {  	[spmem:s13], [sflag:s8] =	dma.local [hbm:s7], $0x2800  }
0x13: {  	p1 =	sne.s32 s11, $0x1  }
.Ltmp0:
0x14: {  	_ =	swait.ge [sflag:s14], $0x2800;
	(pc) =	sbr.rel @!p1 .LBB2_4-.Ltmp0, $4  }
0x15: {  	[sflag:s14] =	ssyncset.done $0x0  }
0x16: {  	[sflag:s14] =	ssyncadd.s32 $0xFFFFD800  }
0x17: {  	[bflag:$0x0] =	sbarrier.arrive $0xFFFF  }
0x18: {  	s20 =	sadd.s32 $0xFFFFFFFF, s11;
	s22 =	sand.u32 $0x1FFFFFF0, s12;
	p0 =	por $0x0, $0x0  }
0x19: {  	s21 =	sadd.s32 s5, s22  }
0x1a: {  	[tilespmem:s4], [sflag:$0x2] =	stream.linear.gather [hbm4b:s21+s4], $0x80, $0x38;
	[tilespmem:$0x1C200] =	vst v63  }
0x1b: {  	_ =	swait.ge [sflag:s14], $0x80  }
0x1c: {  	[sflag:s14] =	ssyncset.done $0x0  }
0x1d: {  	s31 =	sadd.s32 s6, s22;
	[sflag:s14] =	ssyncadd.s32 $0xFFFFFF80  }
0x1e: {  	[tilespmem:s15], [sflag:$0x2] =	stream.linear.gather [hbm4b:s31+s4], $0x80, $0x38;
	[tilespmem:$0x1C200] =	vst v63  }
0x1f: {  	_ =	swait.ge [sflag:s14], $0x80  }
0x20: {  	[sflag:s14] =	ssyncset.done $0x0  }
0x21: {  	[sflag:s14] =	ssyncadd.s32 $0xFFFFFF80  }
0x22: {  	[tilespmem:s17], [sflag:$0x1] =	stream.indirect.gather [hbm4b:s1+s16], $0x80, s4, s16, $0xb8;
	[tilespmem:$0x1C200] =	vst v63  }
0x23: {  	p1 =	sne.s32 s20, $0x1;
	_ =	swait.ge [sflag:s18], $0x4000  }
.Ltmp1:
0x24: {  	[sflag:s18] =	ssyncset.done $0x0;
	(pc) =	sbr.rel @!p1 .LBB2_4-.Ltmp1, $4  }
0x25: {  	[sflag:s18] =	ssyncadd.s32 $0xFFFFC000  }
0x26: {  	[spmem:s3] =	stream.indirect.scatter.add.f32 [tilespmem:s17], [sflag:$0x2], $0x80, s15, s16, $0xb8;
	[tilespmem:$0x1C200] =	vst v63  }
0x27: {  	s20 =	sadd.s32 $0xFFFFFFFF, s20;
	s21 =	sadd.s32 $0x10, s12;
	_ =	swait.ge [sflag:s14], $0x4000  }
0x28: {  	p0 =	por $0x1, $0x1;
	s22 =	sand.u32 $0x1FFFFFF0, s21;
	[sflag:s14] =	ssyncset.done $0x0  }
.LBB2_3:
0x29: {  	p1 =	sne.s32 s20, $0x1;
	s23 =	sadd.s32 s5, s22;
	[sflag:s14] =	ssyncadd.s32 $0xFFFFC000  }
0x2a: {  	[tilespmem:s4], [sflag:$0x2] =	stream.linear.gather [hbm4b:s23+s4], $0x80, $0x38;
	[tilespmem:$0x1C200] =	vst v63  }
0x2b: {  	s20 =	sadd.s32 $0xFFFFFFFF, s20;
	_ =	swait.ge [sflag:s14], $0x80  }
0x2c: {  	[sflag:s14] =	ssyncset.done $0x0  }
0x2d: {  	s22 =	sadd.s32 s6, s22;
	[sflag:s14] =	ssyncadd.s32 $0xFFFFFF80  }
0x2e: {  	[tilespmem:s15], [sflag:$0x2] =	stream.linear.gather [hbm4b:s22+s4], $0x80, $0x38;
	[tilespmem:$0x1C200] =	vst v63  }
0x2f: {  	_ =	swait.ge [sflag:s14], $0x80  }
0x30: {  	[sflag:s14] =	ssyncset.done $0x0  }
0x31: {  	[sflag:s14] =	ssyncadd.s32 $0xFFFFFF80  }
0x32: {  	[tilespmem:s17], [sflag:$0x1] =	stream.indirect.gather [hbm4b:s1+s16], $0x80, s4, s16, $0xb8;
	[tilespmem:$0x1C200] =	vst v63  }
0x33: {  	_ =	swait.ge [sflag:s18], $0x4000  }
.Ltmp2:
0x34: {  	[sflag:s18] =	ssyncset.done $0x0;
	(pc) =	sbr.rel @p1 .LBB2_3-.Ltmp2, $4  }
0x35: {  	[sflag:s18] =	ssyncadd.s32 $0xFFFFC000  }
0x36: {  	[spmem:s3] =	stream.indirect.scatter.add.f32 [tilespmem:s17], [sflag:$0x2], $0x80, s15, s16, $0xb8;
	[tilespmem:$0x1C200] =	vst v63  }
0x37: {  	s21 =	sadd.s32 $0x10, s21;
	_ =	swait.ge [sflag:s14], $0x4000  }
0x38: {  	s22 =	sand.u32 $0x1FFFFFF0, s21;
	[sflag:s14] =	ssyncset.done $0x0  }
.LBB2_4:
0x39: {  	s20 =	sadd.s32 s5, s22;
	[sflag:s14] =	ssyncadd.s32 @p0 $0xFFFFC000  }
0x3a: {  	[tilespmem:s4], [sflag:$0x2] =	stream.linear.gather [hbm4b:s20+s4], $0x80, $0x38;
	[tilespmem:$0x1C200] =	vst v63  }
0x3b: {  	_ =	swait.ge [sflag:s14], $0x80  }
0x3c: {  	[sflag:s14] =	ssyncset.done $0x0  }
0x3d: {  	s31 =	sadd.s32 s6, s22;
	[sflag:s14] =	ssyncadd.s32 $0xFFFFFF80  }
0x3e: {  	[tilespmem:s15], [sflag:$0x2] =	stream.linear.gather [hbm4b:s31+s4], $0x80, $0x38;
	[tilespmem:$0x1C200] =	vst v63  }
0x3f: {  	_ =	swait.ge [sflag:s14], $0x80  }
0x40: {  	[sflag:s14] =	ssyncset.done $0x0  }
0x41: {  	[sflag:s14] =	ssyncadd.s32 $0xFFFFFF80  }
0x42: {  	[tilespmem:s17], [sflag:$0x1] =	stream.indirect.gather [hbm4b:s1+s16], $0x80, s4, s16, $0xb8;
	[tilespmem:$0x1C200] =	vst v63  }
0x43: {  	_ =	swait.ge [sflag:s18], $0x4000  }
0x44: {  	[sflag:s18] =	ssyncset.done $0x0  }
0x45: {  	[sflag:s18] =	ssyncadd.s32 $0xFFFFC000  }
0x46: {  	[spmem:s3] =	stream.indirect.scatter.add.f32 [tilespmem:s17], [sflag:$0x2], $0x80, s15, s16, $0xb8;
	[tilespmem:$0x1C200] =	vst v63  }
0x47: {  	_ =	swait.ge [sflag:s14], $0x4000  }
0x48: {  	s19 =	sadd.s32 $0x1, s19;
	[sflag:s14] =	ssyncset.done $0x0  }
0x49: {  	p0 =	sne.s32 s19, s10;
	[sflag:s14] =	ssyncadd.s32 $0xFFFFC000  }
.Ltmp3:
0x4a: {  	[bflag:$0x0] =	sbarrier.arrive $0xFFFF;
	(pc) =	sbr.rel @p0 .LBB2_1-.Ltmp3, $4  }
0x4b: {  	[hbm:s9], [sflag:s8] =	dma.local [spmem:s13], $0x2800  }
0x4c: {  	_ =	swait.ge [sflag:s14], $0x2800  }
0x4d: {  	[sflag:s14] =	ssyncset.done $0x0  }
0x4e: {  	[sflag:s14] =	ssyncadd.s32 $0xFFFFD800  }
0x4f: {  	_ =	sfence.sel $0x180000  }
0x50: {  	[bflag:$0x0] =	sbarrier.arrive $0xFFFF  }
0x51: {  	p0 =	sne.s32 s2, $0x0;
	_ =	strace $0x9000004A  }
0x52: {  	s0 =	sadd.s32 @!p0 $0x100000, s0;
	[bflag:$0x2] =	sbarrier.arrive $0xFFFF  }
0x53: {  	[sflag:s0] =	ssyncadd.tile.s32 @!p0 $0x1;
	_ =	shalt  }
.Lfunc_end2:
_tile_overlayer_lowered:
.L_overlay_start_2:
0x54: {  	(tag) =	ssettag $0x2  }
0x55: {  	s0 =	rddreg [dreg:$0x0];
	s2 =	stileid.u32  }
0x56: {  	s1 =	rddreg [dreg:$0x1];
	p0 =	sne.s32 s2, $0x0  }
0x57: {  	s3 =	rddreg [dreg:$0x2];
	[bflag:$0x3] =	sbarrier.arrive $0xFFFF;
	s2 =	simm.s32 @!p0 $0x1C02  }
0x58: {  	[timem:s3], [sflag:s2] =	dma.local @!p0 [hbm:s0], s1  }
0x59: {  	s0 =	simm.s32 @!p0 $0x2  }
0x5a: {  	_ =	swait.ge @!p0 [sflag:s0], s1  }
0x5b: {  	s1 =	ssub.s32 @!p0 $0x0, s1;
	[sflag:s0] =	ssyncset.done @!p0 $0x0  }
0x5c: {  	[sflag:s0] =	ssyncadd.s32 @!p0 s1  }
0x5d: {  	[bflag:$0x3] =	sbarrier.arrive $0xFFFF  }
0x5e: {  	_ =	shalt  }

// kernel: kernel.15.cloned.1.call-start
scs
__scs_entry_jumppad:
0x0: {  	(pc) =	sbr.rel $0x88, $3  }
0x1: {  	(tag) =	ssettag $0x0;
	lr =	simm.s32 $0x1  }
0x2: {  	[smem:$0x3F9B] =	sst lr;
	_ =	strace $0xD0000000  }
0x3: {  	_ = 	snop  }
0x4: {  	_ = 	snop  }
0x5: {  	_ = 	snop  }
0x6: {  	_ = 	snop  }
0x7: {  	_ = 	snop  }
__scs_overlays_trampoline_lowered:
0x8: {  	[smem:$0x3FAA] =	sst s0  }
0x9: {  	[smem:$0x3FAB] =	sst s1  }
0xa: {  	[smem:$0x3FAC] =	sst s2  }
0xb: {  	[smem:$0x3FAD] =	sst s3  }
0xc: {  	[smem:$0x3FAE] =	sst s4  }
0xd: {  	[smem:$0x3FAF] =	sst s5  }
0xe: {  	[smem:$0x3FB0] =	sst s6  }
0xf: {  	[smem:$0x3FB1] =	sst s7  }
0x10: {  	[smem:$0x3FB2] =	sst s8  }
0x11: {  	[smem:$0x3FB3] =	sst s9;
	s0 =	simm.s32 @!p0 $0x0  }
0x12: {  	s1 =	sld [smem:$0x3F99];
	s0 =	simm.s32 @p0 $0x1  }
0x13: {  	[smem:$0x3FB4] =	sst s0;
	s0 =	simm.s32 @!p1 $0x0  }
0x14: {  	s2 =	sld [smem:$0x3F98];
	s0 =	simm.s32 @p1 $0x1  }
0x15: {  	[smem:$0x3FB5] =	sst s0;
	s0 =	simm.s32 @!p2 $0x0  }
0x16: {  	s3 =	sld [smem:$0x3FDB];
	s0 =	simm.s32 @p2 $0x1  }
0x17: {  	s4 =	simm.s32 $0x1BF5;
	[smem:$0x3FB7] =	sst s0  }
0x18: {  	s0 =	sld [smem:$0x3F9A];
	_ =	swait.ge [sflag:s4], $0x0  }
0x19: {  	s7 =	sld [smem:$0x3F9B]  }
0x1a: {  	s8 =	sadd.s32 $0xFFFFE003, lr  }
0x1b: {  	s9 =	sadd.s32 $0xFFFFFEF7, lr;
	s5 =	simm.s32 $0xFFFFFFFF;
	p2 =	slt.u32 s8, $0xFFFFF086  }
0x1c: {  	p1 =	slt.u32 s9, $0xF7A;
	s5 =	simm.s32 @!p2 $0x0  }
0x1d: {  	s5 =	simm.s32 @p1 $0x1;
	p0 =	seq.s32 s7, s2  }
0x1e: {  	s7 =	smul.u32 @!p0 $0xF7A, s2;
	p2 =	seq.s32 @!p0 s5, $0x0  }
0x1f: {  	s9 =	smul.u32 $0xF7A, s1;
	s8 =	simm.s32 @!p0 $0x1BF5;
	p2 =	por !p2, p0  }
0x20: {  	[sflag:s8] =	ssyncset.s32 @!p0 $0xFFFFF086;
	s6 =	sadd.s32 @!p0 s3, s7;
	s7 =	simm.s32 @!p0 $0x108  }
0x21: {  	s3 =	sadd.s32 s3, s9;
	s6 =	sadd.s32 @!p0 $0x88, s6;
	s7 =	simm.s32 @p2 $0x1082  }
0x22: {  	[simem:s7], [sflag:s8] =	dma.local @!p0 [hbm:s6], $0xF7A  }
0x23: {  	s9 =	sor.u32 $0xD0000000, s2;
	s6 =	simm.s32 $0x108;
	_ =	swait.ge @!p0 [sflag:s8], $0x0  }
0x24: {  	s3 =	sadd.s32 $0x88, s3;
	s6 =	simm.s32 @!p1 $0x1082;
	[sflag:s4] =	ssyncset.s32 $0xFFFFF086  }
0x25: {  	[simem:s6], [sflag:s4] =	dma.local [hbm:s3], $0xF7A  }
0x26: {  	[smem:$0x3F9B] =	sst s1;
	(tag) =	ssettag s2;
	_ =	strace s9  }
0x27: {  	s1 =	sld [smem:$0x3FAB]  }
0x28: {  	s2 =	sld [smem:$0x3FAC]  }
0x29: {  	s4 =	sld [smem:$0x3FAE]  }
0x2a: {  	p0 =	seq.s32 s5, $0x0;
	s5 =	sld [smem:$0x3FAF]  }
0x2b: {  	s6 =	sld [smem:$0x3FB0]  }
0x2c: {  	s7 =	sld [smem:$0x3FB1]  }
0x2d: {  	s3 =	simm.s32 $0x108;
	s8 =	sld [smem:$0x3FB2]  }
0x2e: {  	s3 =	simm.s32 @!p0 $0x1082;
	s9 =	sld [smem:$0x3FB3]  }
0x2f: {  	lr =	sadd.s32 s0, s3;
	s0 =	sld [smem:$0x3FAA]  }
0x30: {  	s3 =	sld [smem:$0x3FAD]  }
0x31: {  	[smem:$0x3FB6] =	sst s10  }
0x32: {  	s10 =	sld [smem:$0x3FB4];
	_ =	sdelay $0x3  }
0x33: {  	p0 =	seq.s32 s10, $0x1;
	s10 =	sld [smem:$0x3FB6];
	_ =	sdelay $0x3  }
0x34: {  	[smem:$0x3FB6] =	sst s10  }
0x35: {  	s10 =	sld [smem:$0x3FB5];
	_ =	sdelay $0x3  }
0x36: {  	p1 =	seq.s32 s10, $0x1;
	s10 =	sld [smem:$0x3FB6];
	_ =	sdelay $0x3  }
0x37: {  	[smem:$0x3FB6] =	sst s10  }
0x38: {  	s10 =	sld [smem:$0x3FB7]  }
0x39: {  	_ = 	snop;
	(pc) =	sbr.ind lr, $3  }
0x3a: {  	_ = 	snop  }
0x3b: {  	_ = 	snop  }
0x3c: {  	p2 =	seq.s32 s10, $0x1;
	s10 =	sld [smem:$0x3FB6]  }
0x3d: {  	_ =	shalt  }
0x3e: {  	_ =	shalt  }
0x3f: {  	_ =	shalt  }
0x40: {  	_ =	shalt  }
0x41: {  	_ =	shalt  }
0x42: {  	_ =	shalt  }
0x43: {  	_ =	shalt  }
0x44: {  	_ =	shalt  }
0x45: {  	_ =	shalt  }
0x46: {  	_ =	shalt  }
0x47: {  	_ =	shalt  }
0x48: {  	_ =	shalt  }
0x49: {  	_ =	shalt  }
0x4a: {  	_ =	shalt  }
0x4b: {  	_ =	shalt  }
0x4c: {  	_ =	shalt  }
0x4d: {  	_ =	shalt  }
0x4e: {  	_ =	shalt  }
0x4f: {  	_ =	shalt  }
0x50: {  	_ =	shalt  }
0x51: {  	_ =	shalt  }
0x52: {  	_ =	shalt  }
0x53: {  	_ =	shalt  }
0x54: {  	_ =	shalt  }
0x55: {  	_ =	shalt  }
0x56: {  	_ =	shalt  }
0x57: {  	_ =	shalt  }
0x58: {  	_ =	shalt  }
0x59: {  	_ =	shalt  }
0x5a: {  	_ =	shalt  }
0x5b: {  	_ =	shalt  }
0x5c: {  	_ =	shalt  }
0x5d: {  	_ =	shalt  }
0x5e: {  	_ =	shalt  }
0x5f: {  	_ =	shalt  }
0x60: {  	_ =	shalt  }
0x61: {  	_ =	shalt  }
0x62: {  	_ =	shalt  }
0x63: {  	_ =	shalt  }
0x64: {  	_ =	shalt  }
0x65: {  	_ =	shalt  }
0x66: {  	_ =	shalt  }
0x67: {  	_ =	shalt  }
0x68: {  	_ =	shalt  }
0x69: {  	_ =	shalt  }
0x6a: {  	_ =	shalt  }
0x6b: {  	_ =	shalt  }
0x6c: {  	_ =	shalt  }
0x6d: {  	_ =	shalt  }
0x6e: {  	_ =	shalt  }
0x6f: {  	_ =	shalt  }
0x70: {  	_ =	shalt  }
0x71: {  	_ =	shalt  }
0x72: {  	_ =	shalt  }
0x73: {  	_ =	shalt  }
0x74: {  	_ =	shalt  }
0x75: {  	_ =	shalt  }
0x76: {  	_ =	shalt  }
0x77: {  	_ =	shalt  }
0x78: {  	_ =	shalt  }
0x79: {  	_ =	shalt  }
0x7a: {  	_ =	shalt  }
0x7b: {  	_ =	shalt  }
0x7c: {  	_ =	shalt  }
0x7d: {  	_ =	shalt  }
0x7e: {  	_ =	shalt  }
0x7f: {  	_ =	shalt  }
0x80: {  	_ =	shalt  }
0x81: {  	_ =	shalt  }
0x82: {  	_ =	shalt  }
0x83: {  	_ =	shalt  }
0x84: {  	_ =	shalt  }
0x85: {  	_ =	shalt  }
0x86: {  	_ =	shalt  }
0x87: {  	_ =	shalt  }
.Lfunc_end0:
.L_simem_size_0:
called_computation.2_lowered:
.L_overlay_start_0:
0x88: {  	s2 =	sld [smem:$0x3FD9]  }
0x89: {  	s3 =	sld [smem:$0x3FFE];
	_ =	sdelay $0x1  }
0x8a: {  	s1 =	srdreg.scid  }
0x8b: {  	s0 =	sand.u32 $0x1, s1  }
0x8c: {  	s17 =	sshll.u32 s0, $0xA;
	s2 =	sadd.s32 s3, s2  }
0x8d: {  	s2 =	sadd.s32 s2, s17  }
0x8e: {  	[smem:$0x3FC2] =	sst s2  }
0x8f: {  	_ = 	snop  }
0x90: {  	s2 =	sld [smem:$0x3FD0];
	(tm) =	ssettm $0x1  }
0x91: {  	s18 =	sld [smem:$0x3FFB];
	_ =	sdelay $0x3  }
0x92: {  	_ =	strace s18  }
0x93: {  	s3 =	sld [smem:$0x3FFC];
	_ =	sdelay $0x3  }
0x94: {  	_ =	strace s3  }
0x95: {  	s3 =	sld [smem:$0x3FFD];
	_ =	sdelay $0x3  }
0x96: {  	_ =	strace s3  }
0x97: {  	_ =	strace $0x8FFFFFFF  }
0x98: {  	s19 =	sld [smem:$0x3FDB];
	_ =	sdelay $0x1  }
0x99: {  	s4 =	simm.s32 $_scs_section_size  }
0x9a: {  	s5 =	simm.s32 $_size__tile_overlayer_lowered;
	s6 =	simm.s32 $_tile_overlayer_lowered  }
0x9b: {  	s22 =	simm.s32 $0x1BFF;
	s21 =	sshll.u32 s6, $0x1;
	s3 =	sadd.s32 s4, s19  }
0x9c: {  	s7 =	simm.s32 $0x0;
	s20 =	sshll.u32 s5, $0x1;
	s5 =	sadd.s32 s21, s3  }
0x9d: {  	[timem:s7], [sflag:s22] =	dma.local [hbm:s5], s20  }
0x9e: {  	_ =	swait.ge [sflag:s22], s20  }
0x9f: {  	s4 =	ssub.s32 $0x0, s20;
	[sflag:s22] =	ssyncset.done $0x0  }
0xa0: {  	[sflag:s22] =	ssyncadd.s32 s4;
	_ =	sdelay $0x1  }
0xa1: {  	s23 =	simm.s32 $0x1B8B  }
0xa2: {  	_ =	swait.ge [sflag:s23], $0x1  }
0xa3: {  	[sflag:s23] =	ssyncset.done $0x0  }
0xa4: {  	s25 =	simm.s32 $0x1B8E;
	s24 =	sld [smem:$0x3FFE];
	[sflag:s23] =	ssyncadd.s32 $0xFFFFFFFF  }
0xa5: {  	s26 =	simm.s32 $execute0_lowered;
	[smem:$0x3FD2] =	sst s25  }
0xa6: {  	s5 =	sshll.u32 s26, $0x1;
	_ =	strace $0x8000004C;
	[dreg:$0x1] =	wrdreg $0xFFFFFFFF  }
0xa7: {  	s28 =	simm.s32 $_size_execute0_lowered;
	s3 =	sadd.s32 s3, s5;
	[dreg:$0x0] =	wrdreg $0x0  }
0xa8: {  	s5 =	sshll.u32 s28, $0x1;
	[dreg:$0x2] =	wrdreg s3  }
0xa9: {  	[dreg:$0x3] =	wrdreg s5  }
0xaa: {  	[dreg:$0x4] =	wrdreg $0xC0  }
0xab: {  	_ =	task [dreg:s7], $0x5FFFF  }
0xac: {  	[dreg:$0x1] =	wrdreg $0xFFFFFFFF  }
0xad: {  	[dreg:$0x0] =	wrdreg $0x60  }
0xae: {  	[dreg:$0x2] =	wrdreg s2  }
0xaf: {  	[dreg:$0x3] =	wrdreg s24  }
0xb0: {  	[dreg:$0x4] =	wrdreg $0x82000  }
0xb1: {  	[dreg:$0x5] =	wrdreg $0x9  }
0xb2: {  	_ =	task.clear_ibuf [dreg:s7], $0x6FFFF;
	_ =	strace $0x9000004C  }
0xb3: {  	s29 =	simm.s32 $0x9;
	_ =	strace $0x8000004E  }
0xb4: {  	_ =	swait.ge [sflag:s29], $0x1  }
0xb5: {  	[sflag:s29] =	ssyncadd.s32 $0xFFFFFFFF  }
0xb6: {  	_ =	strace $0x9000004E  }
0xb7: {  	_ =	sfence  }
0xb8: {  	s30 =	sld [smem:$0x0];
	_ =	sdelay $0x2  }
0xb9: {  	s31 =	sshll.u32 s1, $0xD;
	s1 =	sshrl.u32 s1, $0x2  }
0xba: {  	s3 =	sand.u32 $0x4000, s31;
	s1 =	sadd.s32 s1, s30  }
0xbb: {  	s0 =	sor.u32 s3, s0;
	s1 =	sshll.u32 s1, $0x11  }
0xbc: {  	s0 =	sor.u32 s1, s0  }
0xbd: {  	s0 =	sadd.s32 $0x8F2B, s0  }
0xbe: {  	[sflag:s0] =	ssyncadd.remote.s32 $0x1  }
0xbf: {  	_ =	sfence.sel $0xFFFF  }
0xc0: {  	[dreg:$0x0] =	wrdreg $0xFFFFFFFF;
	(pc) =	sbr.abs _section_cstart, $3  }
0xc1: {  	[dreg:$0x1] =	wrdreg $0xFFFFFFFF  }
0xc2: {  	_ =	task.clear_ibuf [dreg:s7], $0x2FFFF;
	_ =	strace $0x9FFFFFFF  }
0xc3: {  	(tm) =	ssettm $0x7FFFFFFF  }
tec
execute0_lowered:
.L_overlay_start_1:
0x0: {  	(tag) =	ssettag $0x1  }
0x1: {  	s1 =	rddreg [dreg:$0x0]  }
0x2: {  	s7 =	rddreg [dreg:$0x1]  }
0x3: {  	s3 =	rddreg [dreg:$0x2]  }
0x4: {  	s0 =	rddreg [dreg:$0x3];
	s4 =	simm.s32 $0x0;
	s2 =	stileid.u32  }
0x5: {  	s5 =	srdreg.scid;
	s17 =	simm.s32 $0x200;
	s8 =	smul.u32 $0x14000, s2  }
0x6: {  	s18 =	simm.s32 $0x1;
	s19 =	simm.s32 $0x0;
	s12 =	smul.u32 $0x1FFFFBC, s2  }
0x7: {  	[smem:$0x7FF] =	sst s4;
	s9 =	sand.u32 $0x1, s5;
	s14 =	smul.u32 $0x50000, s2  }
0x8: {  	s5 =	sadd.s32 $0x84000, s7;
	s6 =	sadd.s32 $0x2200, s7;
	s16 =	smul.u32 $0x710, s2  }
0x9: {  	s30 =	sshll.u32 s2, $0x6;
	_ =	strace $0x8000004D;
	s10 =	smul.u32 $0x140000, s9  }
0xa: {  	s24 =	ssub.s32 $0x2, s9;
	s28 =	smul.u32 $0x44, s9;
	s11 =	sshrl.u32 s8, $0x3  }
0xb: {  	s13 =	sshrl.u32 s24, $0x1;
	s25 =	sadd.s32 $0x710, s12;
	s26 =	sshrl.u32 s14, $0x2  }
0xc: {  	s8 =	sadd.s32 s8, s10;
	s11 =	sadd.s32 s11, s7;
	s10 =	ssub.s32 s24, s13  }
0xd: {  	s29 =	sadd.s32 s26, s3;
	s31 =	smul.u32 s9, s25;
	s8 =	sshrl.u32 s8, $0x3  }
0xe: {  	s10 =	smax.u32 s10, $0x1;
	s13 =	sshrl.u32 s29, $0x3;
	s15 =	sadd.s32 s8, s7  }
0xf: {  	s7 =	sadd.s32 $0xC000, s11;
	s8 =	sor.u32 $0x1C02, s30;
	s14 =	sshll.u32 s31, $0x4  }
0x10: {  	s11 =	ssub.s32 $0x71, s28;
	s9 =	sadd.s32 $0x8DE00, s15;
	s12 =	sadd.s32 s16, s14  }
0x11: {  	s14 =	simm.s32 $0x2;
	s15 =	simm.s32 $0x100;
	s16 =	simm.s32 $0x80  }
.LBB2_1:
0x12: {  	[spmem:s13], [sflag:s8] =	dma.local [hbm:s7], $0x2800  }
0x13: {  	p1 =	sne.s32 s11, $0x1  }
.Ltmp0:
0x14: {  	_ =	swait.ge [sflag:s14], $0x2800;
	(pc) =	sbr.rel @!p1 .LBB2_4-.Ltmp0, $4  }
0x15: {  	[sflag:s14] =	ssyncset.done $0x0  }
0x16: {  	[sflag:s14] =	ssyncadd.s32 $0xFFFFD800  }
0x17: {  	[bflag:$0x0] =	sbarrier.arrive $0xFFFF  }
0x18: {  	s20 =	sadd.s32 $0xFFFFFFFF, s11;
	s22 =	sand.u32 $0x1FFFFFF0, s12;
	p0 =	por $0x0, $0x0  }
0x19: {  	s21 =	sadd.s32 s5, s22  }
0x1a: {  	[tilespmem:s4], [sflag:$0x2] =	stream.linear.gather [hbm4b:s21+s4], $0x80, $0x38;
	[tilespmem:$0x1C200] =	vst v63  }
0x1b: {  	_ =	swait.ge [sflag:s14], $0x80  }
0x1c: {  	[sflag:s14] =	ssyncset.done $0x0  }
0x1d: {  	s31 =	sadd.s32 s6, s22;
	[sflag:s14] =	ssyncadd.s32 $0xFFFFFF80  }
0x1e: {  	[tilespmem:s15], [sflag:$0x2] =	stream.linear.gather [hbm4b:s31+s4], $0x80, $0x38;
	[tilespmem:$0x1C200] =	vst v63  }
0x1f: {  	_ =	swait.ge [sflag:s14], $0x80  }
0x20: {  	[sflag:s14] =	ssyncset.done $0x0  }
0x21: {  	[sflag:s14] =	ssyncadd.s32 $0xFFFFFF80  }
0x22: {  	[tilespmem:s17], [sflag:$0x1] =	stream.indirect.gather [hbm4b:s1+s16], $0x80, s4, s16, $0xb8;
	[tilespmem:$0x1C200] =	vst v63  }
0x23: {  	p1 =	sne.s32 s20, $0x1;
	_ =	swait.ge [sflag:s18], $0x4000  }
.Ltmp1:
0x24: {  	[sflag:s18] =	ssyncset.done $0x0;
	(pc) =	sbr.rel @!p1 .LBB2_4-.Ltmp1, $4  }
0x25: {  	[sflag:s18] =	ssyncadd.s32 $0xFFFFC000  }
0x26: {  	[spmem:s3] =	stream.indirect.scatter.add.f32 [tilespmem:s17], [sflag:$0x2], $0x80, s15, s16, $0xb8;
	[tilespmem:$0x1C200] =	vst v63  }
0x27: {  	s20 =	sadd.s32 $0xFFFFFFFF, s20;
	s21 =	sadd.s32 $0x10, s12;
	_ =	swait.ge [sflag:s14], $0x4000  }
0x28: {  	p0 =	por $0x1, $0x1;
	s22 =	sand.u32 $0x1FFFFFF0, s21;
	[sflag:s14] =	ssyncset.done $0x0  }
.LBB2_3:
0x29: {  	p1 =	sne.s32 s20, $0x1;
	s23 =	sadd.s32 s5, s22;
	[sflag:s14] =	ssyncadd.s32 $0xFFFFC000  }
0x2a: {  	[tilespmem:s4], [sflag:$0x2] =	stream.linear.gather [hbm4b:s23+s4], $0x80, $0x38;
	[tilespmem:$0x1C200] =	vst v63  }
0x2b: {  	s20 =	sadd.s32 $0xFFFFFFFF, s20;
	_ =	swait.ge [sflag:s14], $0x80  }
0x2c: {  	[sflag:s14] =	ssyncset.done $0x0  }
0x2d: {  	s22 =	sadd.s32 s6, s22;
	[sflag:s14] =	ssyncadd.s32 $0xFFFFFF80  }
0x2e: {  	[tilespmem:s15], [sflag:$0x2] =	stream.linear.gather [hbm4b:s22+s4], $0x80, $0x38;
	[tilespmem:$0x1C200] =	vst v63  }
0x2f: {  	_ =	swait.ge [sflag:s14], $0x80  }
0x30: {  	[sflag:s14] =	ssyncset.done $0x0  }
0x31: {  	[sflag:s14] =	ssyncadd.s32 $0xFFFFFF80  }
0x32: {  	[tilespmem:s17], [sflag:$0x1] =	stream.indirect.gather [hbm4b:s1+s16], $0x80, s4, s16, $0xb8;
	[tilespmem:$0x1C200] =	vst v63  }
0x33: {  	_ =	swait.ge [sflag:s18], $0x4000  }
.Ltmp2:
0x34: {  	[sflag:s18] =	ssyncset.done $0x0;
	(pc) =	sbr.rel @p1 .LBB2_3-.Ltmp2, $4  }
0x35: {  	[sflag:s18] =	ssyncadd.s32 $0xFFFFC000  }
0x36: {  	[spmem:s3] =	stream.indirect.scatter.add.f32 [tilespmem:s17], [sflag:$0x2], $0x80, s15, s16, $0xb8;
	[tilespmem:$0x1C200] =	vst v63  }
0x37: {  	s21 =	sadd.s32 $0x10, s21;
	_ =	swait.ge [sflag:s14], $0x4000  }
0x38: {  	s22 =	sand.u32 $0x1FFFFFF0, s21;
	[sflag:s14] =	ssyncset.done $0x0  }
.LBB2_4:
0x39: {  	s20 =	sadd.s32 s5, s22;
	[sflag:s14] =	ssyncadd.s32 @p0 $0xFFFFC000  }
0x3a: {  	[tilespmem:s4], [sflag:$0x2] =	stream.linear.gather [hbm4b:s20+s4], $0x80, $0x38;
	[tilespmem:$0x1C200] =	vst v63  }
0x3b: {  	_ =	swait.ge [sflag:s14], $0x80  }
0x3c: {  	[sflag:s14] =	ssyncset.done $0x0  }
0x3d: {  	s31 =	sadd.s32 s6, s22;
	[sflag:s14] =	ssyncadd.s32 $0xFFFFFF80  }
0x3e: {  	[tilespmem:s15], [sflag:$0x2] =	stream.linear.gather [hbm4b:s31+s4], $0x80, $0x38;
	[tilespmem:$0x1C200] =	vst v63  }
0x3f: {  	_ =	swait.ge [sflag:s14], $0x80  }
0x40: {  	[sflag:s14] =	ssyncset.done $0x0  }
0x41: {  	[sflag:s14] =	ssyncadd.s32 $0xFFFFFF80  }
0x42: {  	[tilespmem:s17], [sflag:$0x1] =	stream.indirect.gather [hbm4b:s1+s16], $0x80, s4, s16, $0xb8;
	[tilespmem:$0x1C200] =	vst v63  }
0x43: {  	_ =	swait.ge [sflag:s18], $0x4000  }
0x44: {  	[sflag:s18] =	ssyncset.done $0x0  }
0x45: {  	[sflag:s18] =	ssyncadd.s32 $0xFFFFC000  }
0x46: {  	[spmem:s3] =	stream.indirect.scatter.add.f32 [tilespmem:s17], [sflag:$0x2], $0x80, s15, s16, $0xb8;
	[tilespmem:$0x1C200] =	vst v63  }
0x47: {  	_ =	swait.ge [sflag:s14], $0x4000  }
0x48: {  	s19 =	sadd.s32 $0x1, s19;
	[sflag:s14] =	ssyncset.done $0x0  }
0x49: {  	p0 =	sne.s32 s19, s10;
	[sflag:s14] =	ssyncadd.s32 $0xFFFFC000  }
.Ltmp3:
0x4a: {  	[bflag:$0x0] =	sbarrier.arrive $0xFFFF;
	(pc) =	sbr.rel @p0 .LBB2_1-.Ltmp3, $4  }
0x4b: {  	[hbm:s9], [sflag:s8] =	dma.local [spmem:s13], $0x2800  }
0x4c: {  	_ =	swait.ge [sflag:s14], $0x2800  }
0x4d: {  	[sflag:s14] =	ssyncset.done $0x0  }
0x4e: {  	[sflag:s14] =	ssyncadd.s32 $0xFFFFD800  }
0x4f: {  	_ =	sfence.sel $0x180000  }
0x50: {  	[bflag:$0x0] =	sbarrier.arrive $0xFFFF  }
0x51: {  	p0 =	sne.s32 s2, $0x0;
	_ =	strace $0x9000004D  }
0x52: {  	s0 =	sadd.s32 @!p0 $0x100000, s0;
	[bflag:$0x2] =	sbarrier.arrive $0xFFFF  }
0x53: {  	[sflag:s0] =	ssyncadd.tile.s32 @!p0 $0x1;
	_ =	shalt  }
.Lfunc_end2:
_tile_overlayer_lowered:
.L_overlay_start_2:
0x54: {  	(tag) =	ssettag $0x2  }
0x55: {  	s0 =	rddreg [dreg:$0x0];
	s2 =	stileid.u32  }
0x56: {  	s1 =	rddreg [dreg:$0x1];
	p0 =	sne.s32 s2, $0x0  }
0x57: {  	s3 =	rddreg [dreg:$0x2];
	[bflag:$0x3] =	sbarrier.arrive $0xFFFF;
	s2 =	simm.s32 @!p0 $0x1C02  }
0x58: {  	[timem:s3], [sflag:s2] =	dma.local @!p0 [hbm:s0], s1  }
0x59: {  	s0 =	simm.s32 @!p0 $0x2  }
0x5a: {  	_ =	swait.ge @!p0 [sflag:s0], s1  }
0x5b: {  	s1 =	ssub.s32 @!p0 $0x0, s1;
	[sflag:s0] =	ssyncset.done @!p0 $0x0  }
0x5c: {  	[sflag:s0] =	ssyncadd.s32 @!p0 s1  }
0x5d: {  	[bflag:$0x3] =	sbarrier.arrive $0xFFFF  }
0x5e: {  	_ =	shalt  }

// kernel: kernel.9.cloned.1.call-start
scs
__scs_entry_jumppad:
0x0: {  	(pc) =	sbr.rel $0x88, $3  }
0x1: {  	(tag) =	ssettag $0x0;
	lr =	simm.s32 $0x1  }
0x2: {  	[smem:$0x3F9B] =	sst lr;
	_ =	strace $0xD0000000  }
0x3: {  	_ = 	snop  }
0x4: {  	_ = 	snop  }
0x5: {  	_ = 	snop  }
0x6: {  	_ = 	snop  }
0x7: {  	_ = 	snop  }
__scs_overlays_trampoline_lowered:
0x8: {  	[smem:$0x3FAA] =	sst s0  }
0x9: {  	[smem:$0x3FAB] =	sst s1  }
0xa: {  	[smem:$0x3FAC] =	sst s2  }
0xb: {  	[smem:$0x3FAD] =	sst s3  }
0xc: {  	[smem:$0x3FAE] =	sst s4  }
0xd: {  	[smem:$0x3FAF] =	sst s5  }
0xe: {  	[smem:$0x3FB0] =	sst s6  }
0xf: {  	[smem:$0x3FB1] =	sst s7  }
0x10: {  	[smem:$0x3FB2] =	sst s8  }
0x11: {  	[smem:$0x3FB3] =	sst s9;
	s0 =	simm.s32 @!p0 $0x0  }
0x12: {  	s1 =	sld [smem:$0x3F99];
	s0 =	simm.s32 @p0 $0x1  }
0x13: {  	[smem:$0x3FB4] =	sst s0;
	s0 =	simm.s32 @!p1 $0x0  }
0x14: {  	s2 =	sld [smem:$0x3F98];
	s0 =	simm.s32 @p1 $0x1  }
0x15: {  	[smem:$0x3FB5] =	sst s0;
	s0 =	simm.s32 @!p2 $0x0  }
0x16: {  	s3 =	sld [smem:$0x3FDB];
	s0 =	simm.s32 @p2 $0x1  }
0x17: {  	s4 =	simm.s32 $0x1BF5;
	[smem:$0x3FB7] =	sst s0  }
0x18: {  	s0 =	sld [smem:$0x3F9A];
	_ =	swait.ge [sflag:s4], $0x0  }
0x19: {  	s7 =	sld [smem:$0x3F9B]  }
0x1a: {  	s8 =	sadd.s32 $0xFFFFE003, lr  }
0x1b: {  	s9 =	sadd.s32 $0xFFFFFEF7, lr;
	s5 =	simm.s32 $0xFFFFFFFF;
	p2 =	slt.u32 s8, $0xFFFFF086  }
0x1c: {  	p1 =	slt.u32 s9, $0xF7A;
	s5 =	simm.s32 @!p2 $0x0  }
0x1d: {  	s5 =	simm.s32 @p1 $0x1;
	p0 =	seq.s32 s7, s2  }
0x1e: {  	s7 =	smul.u32 @!p0 $0xF7A, s2;
	p2 =	seq.s32 @!p0 s5, $0x0  }
0x1f: {  	s9 =	smul.u32 $0xF7A, s1;
	s8 =	simm.s32 @!p0 $0x1BF5;
	p2 =	por !p2, p0  }
0x20: {  	[sflag:s8] =	ssyncset.s32 @!p0 $0xFFFFF086;
	s6 =	sadd.s32 @!p0 s3, s7;
	s7 =	simm.s32 @!p0 $0x108  }
0x21: {  	s3 =	sadd.s32 s3, s9;
	s6 =	sadd.s32 @!p0 $0x88, s6;
	s7 =	simm.s32 @p2 $0x1082  }
0x22: {  	[simem:s7], [sflag:s8] =	dma.local @!p0 [hbm:s6], $0xF7A  }
0x23: {  	s9 =	sor.u32 $0xD0000000, s2;
	s6 =	simm.s32 $0x108;
	_ =	swait.ge @!p0 [sflag:s8], $0x0  }
0x24: {  	s3 =	sadd.s32 $0x88, s3;
	s6 =	simm.s32 @!p1 $0x1082;
	[sflag:s4] =	ssyncset.s32 $0xFFFFF086  }
0x25: {  	[simem:s6], [sflag:s4] =	dma.local [hbm:s3], $0xF7A  }
0x26: {  	[smem:$0x3F9B] =	sst s1;
	(tag) =	ssettag s2;
	_ =	strace s9  }
0x27: {  	s1 =	sld [smem:$0x3FAB]  }
0x28: {  	s2 =	sld [smem:$0x3FAC]  }
0x29: {  	s4 =	sld [smem:$0x3FAE]  }
0x2a: {  	p0 =	seq.s32 s5, $0x0;
	s5 =	sld [smem:$0x3FAF]  }
0x2b: {  	s6 =	sld [smem:$0x3FB0]  }
0x2c: {  	s7 =	sld [smem:$0x3FB1]  }
0x2d: {  	s3 =	simm.s32 $0x108;
	s8 =	sld [smem:$0x3FB2]  }
0x2e: {  	s3 =	simm.s32 @!p0 $0x1082;
	s9 =	sld [smem:$0x3FB3]  }
0x2f: {  	lr =	sadd.s32 s0, s3;
	s0 =	sld [smem:$0x3FAA]  }
0x30: {  	s3 =	sld [smem:$0x3FAD]  }
0x31: {  	[smem:$0x3FB6] =	sst s10  }
0x32: {  	s10 =	sld [smem:$0x3FB4];
	_ =	sdelay $0x3  }
0x33: {  	p0 =	seq.s32 s10, $0x1;
	s10 =	sld [smem:$0x3FB6];
	_ =	sdelay $0x3  }
0x34: {  	[smem:$0x3FB6] =	sst s10  }
0x35: {  	s10 =	sld [smem:$0x3FB5];
	_ =	sdelay $0x3  }
0x36: {  	p1 =	seq.s32 s10, $0x1;
	s10 =	sld [smem:$0x3FB6];
	_ =	sdelay $0x3  }
0x37: {  	[smem:$0x3FB6] =	sst s10  }
0x38: {  	s10 =	sld [smem:$0x3FB7]  }
0x39: {  	_ = 	snop;
	(pc) =	sbr.ind lr, $3  }
0x3a: {  	_ = 	snop  }
0x3b: {  	_ = 	snop  }
0x3c: {  	p2 =	seq.s32 s10, $0x1;
	s10 =	sld [smem:$0x3FB6]  }
0x3d: {  	_ =	shalt  }
0x3e: {  	_ =	shalt  }
0x3f: {  	_ =	shalt  }
0x40: {  	_ =	shalt  }
0x41: {  	_ =	shalt  }
0x42: {  	_ =	shalt  }
0x43: {  	_ =	shalt  }
0x44: {  	_ =	shalt  }
0x45: {  	_ =	shalt  }
0x46: {  	_ =	shalt  }
0x47: {  	_ =	shalt  }
0x48: {  	_ =	shalt  }
0x49: {  	_ =	shalt  }
0x4a: {  	_ =	shalt  }
0x4b: {  	_ =	shalt  }
0x4c: {  	_ =	shalt  }
0x4d: {  	_ =	shalt  }
0x4e: {  	_ =	shalt  }
0x4f: {  	_ =	shalt  }
0x50: {  	_ =	shalt  }
0x51: {  	_ =	shalt  }
0x52: {  	_ =	shalt  }
0x53: {  	_ =	shalt  }
0x54: {  	_ =	shalt  }
0x55: {  	_ =	shalt  }
0x56: {  	_ =	shalt  }
0x57: {  	_ =	shalt  }
0x58: {  	_ =	shalt  }
0x59: {  	_ =	shalt  }
0x5a: {  	_ =	shalt  }
0x5b: {  	_ =	shalt  }
0x5c: {  	_ =	shalt  }
0x5d: {  	_ =	shalt  }
0x5e: {  	_ =	shalt  }
0x5f: {  	_ =	shalt  }
0x60: {  	_ =	shalt  }
0x61: {  	_ =	shalt  }
0x62: {  	_ =	shalt  }
0x63: {  	_ =	shalt  }
0x64: {  	_ =	shalt  }
0x65: {  	_ =	shalt  }
0x66: {  	_ =	shalt  }
0x67: {  	_ =	shalt  }
0x68: {  	_ =	shalt  }
0x69: {  	_ =	shalt  }
0x6a: {  	_ =	shalt  }
0x6b: {  	_ =	shalt  }
0x6c: {  	_ =	shalt  }
0x6d: {  	_ =	shalt  }
0x6e: {  	_ =	shalt  }
0x6f: {  	_ =	shalt  }
0x70: {  	_ =	shalt  }
0x71: {  	_ =	shalt  }
0x72: {  	_ =	shalt  }
0x73: {  	_ =	shalt  }
0x74: {  	_ =	shalt  }
0x75: {  	_ =	shalt  }
0x76: {  	_ =	shalt  }
0x77: {  	_ =	shalt  }
0x78: {  	_ =	shalt  }
0x79: {  	_ =	shalt  }
0x7a: {  	_ =	shalt  }
0x7b: {  	_ =	shalt  }
0x7c: {  	_ =	shalt  }
0x7d: {  	_ =	shalt  }
0x7e: {  	_ =	shalt  }
0x7f: {  	_ =	shalt  }
0x80: {  	_ =	shalt  }
0x81: {  	_ =	shalt  }
0x82: {  	_ =	shalt  }
0x83: {  	_ =	shalt  }
0x84: {  	_ =	shalt  }
0x85: {  	_ =	shalt  }
0x86: {  	_ =	shalt  }
0x87: {  	_ =	shalt  }
.Lfunc_end0:
.L_simem_size_0:
called_computation_lowered:
.L_overlay_start_0:
0x88: {  	s2 =	sld [smem:$0x3FD9]  }
0x89: {  	s3 =	sld [smem:$0x3FFE];
	_ =	sdelay $0x1  }
0x8a: {  	s1 =	srdreg.scid  }
0x8b: {  	s0 =	sand.u32 $0x1, s1  }
0x8c: {  	s16 =	sshll.u32 s0, $0xA;
	s2 =	sadd.s32 s3, s2  }
0x8d: {  	s2 =	sadd.s32 s2, s16  }
0x8e: {  	[smem:$0x3FC2] =	sst s2  }
0x8f: {  	_ = 	snop  }
0x90: {  	(tm) =	ssettm $0x1  }
0x91: {  	s17 =	sld [smem:$0x3FFB];
	_ =	sdelay $0x3  }
0x92: {  	_ =	strace s17  }
0x93: {  	s2 =	sld [smem:$0x3FFC];
	_ =	sdelay $0x3  }
0x94: {  	_ =	strace s2  }
0x95: {  	s2 =	sld [smem:$0x3FFD];
	_ =	sdelay $0x3  }
0x96: {  	_ =	strace s2  }
0x97: {  	_ =	strace $0x8FFFFFFF  }
0x98: {  	s18 =	sld [smem:$0x3FDB];
	_ =	sdelay $0x1  }
0x99: {  	s19 =	simm.s32 $_scs_section_size  }
0x9a: {  	s4 =	simm.s32 $_size__tile_overlayer_lowered;
	s5 =	simm.s32 $_tile_overlayer_lowered  }
0x9b: {  	s22 =	simm.s32 $0x1BFF;
	s21 =	sshll.u32 s5, $0x1;
	s2 =	sadd.s32 s19, s18  }
0x9c: {  	s6 =	simm.s32 $0x0;
	s20 =	sshll.u32 s4, $0x1;
	s4 =	sadd.s32 s21, s2  }
0x9d: {  	[timem:s6], [sflag:s22] =	dma.local [hbm:s4], s20  }
0x9e: {  	_ =	swait.ge [sflag:s22], s20  }
0x9f: {  	s3 =	ssub.s32 $0x0, s20;
	[sflag:s22] =	ssyncset.done $0x0  }
0xa0: {  	[sflag:s22] =	ssyncadd.s32 s3;
	_ =	sdelay $0x1  }
0xa1: {  	s23 =	simm.s32 $0x1B8B  }
0xa2: {  	_ =	swait.ge [sflag:s23], $0x1  }
0xa3: {  	[sflag:s23] =	ssyncset.done $0x0  }
0xa4: {  	s25 =	simm.s32 $0x1B8E;
	s24 =	sld [smem:$0x3FFE];
	[sflag:s23] =	ssyncadd.s32 $0xFFFFFFFF  }
0xa5: {  	s26 =	simm.s32 $execute0_lowered;
	[smem:$0x3FD2] =	sst s25  }
0xa6: {  	s4 =	sshll.u32 s26, $0x1;
	_ =	strace $0x80000046;
	[dreg:$0x1] =	wrdreg $0xFFFFFFFF  }
0xa7: {  	s28 =	simm.s32 $_size_execute0_lowered;
	s2 =	sadd.s32 s2, s4;
	[dreg:$0x0] =	wrdreg $0x0  }
0xa8: {  	s4 =	sshll.u32 s28, $0x1;
	[dreg:$0x2] =	wrdreg s2  }
0xa9: {  	[dreg:$0x3] =	wrdreg s4  }
0xaa: {  	[dreg:$0x4] =	wrdreg $0xC0  }
0xab: {  	_ =	task [dreg:s6], $0x5FFFF  }
0xac: {  	[dreg:$0x1] =	wrdreg $0xFFFFFFFF  }
0xad: {  	[dreg:$0x0] =	wrdreg $0x60  }
0xae: {  	[dreg:$0x2] =	wrdreg s24  }
0xaf: {  	[dreg:$0x3] =	wrdreg $0x42000  }
0xb0: {  	[dreg:$0x4] =	wrdreg $0x9  }
0xb1: {  	_ =	task.clear_ibuf [dreg:s6], $0x5FFFF;
	_ =	strace $0x90000046  }
0xb2: {  	s29 =	simm.s32 $0x9;
	_ =	strace $0x80000048  }
0xb3: {  	_ =	swait.ge [sflag:s29], $0x1  }
0xb4: {  	[sflag:s29] =	ssyncadd.s32 $0xFFFFFFFF  }
0xb5: {  	_ =	strace $0x90000048  }
0xb6: {  	_ =	sfence  }
0xb7: {  	s30 =	sld [smem:$0x0];
	_ =	sdelay $0x2  }
0xb8: {  	s31 =	sshll.u32 s1, $0xD;
	s1 =	sshrl.u32 s1, $0x2  }
0xb9: {  	s3 =	sand.u32 $0x4000, s31;
	s1 =	sadd.s32 s1, s30  }
0xba: {  	s0 =	sor.u32 s3, s0;
	s1 =	sshll.u32 s1, $0x11  }
0xbb: {  	s0 =	sor.u32 s1, s0  }
0xbc: {  	s0 =	sadd.s32 $0x8F2B, s0  }
0xbd: {  	[sflag:s0] =	ssyncadd.remote.s32 $0x1  }
0xbe: {  	_ =	sfence.sel $0xFFFF  }
0xbf: {  	[dreg:$0x0] =	wrdreg $0xFFFFFFFF;
	(pc) =	sbr.abs _section_cstart, $3  }
0xc0: {  	[dreg:$0x1] =	wrdreg $0xFFFFFFFF  }
0xc1: {  	_ =	task.clear_ibuf [dreg:s6], $0x2FFFF;
	_ =	strace $0x9FFFFFFF  }
0xc2: {  	(tm) =	ssettm $0x7FFFFFFF  }
0xc3: {  	_ =	shalt  }
tec
execute0_lowered:
.L_overlay_start_1:
0x0: {  	(tag) =	ssettag $0x1  }
0x1: {  	s4 =	rddreg [dreg:$0x0]  }
0x2: {  	s2 =	rddreg [dreg:$0x1]  }
0x3: {  	s0 =	rddreg [dreg:$0x2];
	s1 =	stileid.u32  }
0x4: {  	s6 =	srdreg.scid;
	s3 =	simm.s32 $0x0;
	s5 =	smul.u32 $0x9E0, s1  }
0x5: {  	s13 =	simm.s32 $0x0;
	s7 =	smul.u32 $0x14000, s1;
	s6 =	sand.u32 $0x1, s6  }
0x6: {  	[smem:$0x7FF] =	sst s3;
	s11 =	smul.u32 $0x50000, s1;
	s29 =	sshll.u32 s1, $0x6  }
0x7: {  	s8 =	smul.u32 $0x140000, s6;
	_ =	strace $0x80000047;
	s26 =	ssub.s32 $0x2, s6  }
0x8: {  	s30 =	smul.u32 $0x4F0, s6;
	s9 =	sadd.s32 s5, s4;
	s25 =	sshrl.u32 s7, $0x3  }
0x9: {  	s10 =	sshrl.u32 s26, $0x1;
	s28 =	sshrl.u32 s11, $0x2;
	s11 =	simm.s32 $0x80  }
0xa: {  	s7 =	sadd.s32 s7, s8;
	s5 =	sadd.s32 s25, s4;
	s8 =	ssub.s32 s26, s10  }
0xb: {  	s12 =	sadd.s32 s28, s2;
	s31 =	sadd.s32 s30, s9;
	s10 =	simm.s32 $0x1  }
0xc: {  	s7 =	sshrl.u32 s7, $0x3;
	s9 =	sshrl.u32 s12, $0x3;
	s12 =	simm.s32 $0x200  }
0xd: {  	s7 =	sadd.s32 s7, s4;
	s4 =	sadd.s32 $0xC000, s5;
	s5 =	sor.u32 $0x1C01, s29  }
0xe: {  	v0 =	vimm.f32 $1.000000000e+00;
	s6 =	sadd.s32 $0x34000, s7;
	s7 =	smax.u32 s8, $0x1;
	s8 =	sadd.s32 $0x2200, s31  }
.LBB2_1:
0xf: {  	s14 =	simm.s32 $0x200;
	s15 =	simm.s32 $0x0  }
.LBB2_2:
0x10: {  	p0 =	sne.s32 s14, $0xFE00;
	[tilespmem:s15+$0x200] =	vst v0;
	s15 =	smov.u32 s14;
	s14 =	sadd.s32 $0x200, s14  }
.Ltmp0:
0x11: {  	(pc) =	sbr.rel @p0 .LBB2_2-.Ltmp0, $2  }
0x12: {  	_ =	sdelay $0x2  }
0x13: {  	s15 =	sshra.s32 s15, $0x2  }
0x14: {  	[tilespmem:s15+$0x200] =	vst v0  }
0x15: {  	[spmem:s9], [sflag:s5] =	dma.local [hbm:s4], $0x2800  }
0x16: {  	_ =	swait.ge [sflag:s10], $0x2800  }
0x17: {  	[sflag:s10] =	ssyncset.done $0x0  }
0x18: {  	[sflag:s10] =	ssyncadd.s32 $0xFFFFD800  }
0x19: {  	s14 =	sadd.s32 $0x0, s8;
	[bflag:$0x0] =	sbarrier.arrive $0xFFFF  }
0x1a: {  	[tilespmem:s3], [sflag:$0x1] =	stream.linear.gather [hbm4b:s14+s3], $0x80, $0x38;
	[tilespmem:$0x6A00] =	vst v63  }
0x1b: {  	_ =	swait.ge [sflag:s10], $0x80  }
0x1c: {  	[sflag:s10] =	ssyncset.done $0x0  }
0x1d: {  	[sflag:s10] =	ssyncadd.s32 $0xFFFFFF80  }
0x1e: {  	[spmem:s2] =	stream.indirect.scatter.add.f32 [tilespmem:s12], [sflag:$0x1], $0x10, s3, s11, $0xb8;
	[tilespmem:$0x6A00] =	vst v63  }
0x1f: {  	_ =	swait.ge [sflag:s10], $0x800  }
0x20: {  	s15 =	simm.s32 $0x20;
	s14 =	simm.s32 $0x10;
	[sflag:s10] =	ssyncset.done $0x0  }
.LBB2_4:
0x21: {  	s16 =	sadd.s32 s14, s8  }
0x22: {  	[sflag:s10] =	ssyncadd.s32 $0xFFFFF800;
	s14 =	smov.u32 s15;
	s17 =	sadd.s32 $0x10, s15  }
0x23: {  	[tilespmem:s3], [sflag:$0x1] =	stream.linear.gather [hbm4b:s16+s3], $0x80, $0x38;
	[tilespmem:$0x6A00] =	vst v63  }
0x24: {  	p0 =	sne.s32 s15, $0x4E0;
	_ =	swait.ge [sflag:s10], $0x80  }
.Ltmp1:
0x25: {  	[sflag:s10] =	ssyncset.done $0x0;
	(pc) =	sbr.rel @p0 .LBB2_4-.Ltmp1, $4  }
0x26: {  	[sflag:s10] =	ssyncadd.s32 $0xFFFFFF80  }
0x27: {  	[spmem:s2] =	stream.indirect.scatter.add.f32 [tilespmem:s12], [sflag:$0x1], $0x10, s3, s11, $0xb8;
	[tilespmem:$0x6A00] =	vst v63  }
0x28: {  	_ =	swait.ge [sflag:s10], $0x800  }
0x29: {  	s15 =	smov.u32 s17;
	[sflag:s10] =	ssyncset.done $0x0  }
0x2a: {  	s14 =	sadd.s32 s14, s8;
	[sflag:s10] =	ssyncadd.s32 $0xFFFFF800  }
0x2b: {  	[tilespmem:s3], [sflag:$0x1] =	stream.linear.gather [hbm4b:s14+s3], $0x80, $0x38;
	[tilespmem:$0x6A00] =	vst v63  }
0x2c: {  	_ =	swait.ge [sflag:s10], $0x80  }
0x2d: {  	[sflag:s10] =	ssyncset.done $0x0  }
0x2e: {  	[sflag:s10] =	ssyncadd.s32 $0xFFFFFF80  }
0x2f: {  	[spmem:s2] =	stream.indirect.scatter.add.f32 [tilespmem:s12], [sflag:$0x1], $0x10, s3, s11, $0xb8;
	[tilespmem:$0x6A00] =	vst v63  }
0x30: {  	_ =	swait.ge [sflag:s10], $0x800  }
0x31: {  	s13 =	sadd.s32 $0x1, s13;
	[sflag:s10] =	ssyncset.done $0x0  }
0x32: {  	p0 =	sne.s32 s13, s7;
	[sflag:s10] =	ssyncadd.s32 $0xFFFFF800  }
.Ltmp2:
0x33: {  	[bflag:$0x0] =	sbarrier.arrive $0xFFFF;
	(pc) =	sbr.rel @p0 .LBB2_1-.Ltmp2, $4  }
0x34: {  	[hbm:s6], [sflag:s5] =	dma.local [spmem:s9], $0x2800  }
0x35: {  	_ =	swait.ge [sflag:s10], $0x2800  }
0x36: {  	[sflag:s10] =	ssyncset.done $0x0  }
0x37: {  	[sflag:s10] =	ssyncadd.s32 $0xFFFFD800  }
0x38: {  	_ =	sfence.sel $0x180000  }
0x39: {  	[bflag:$0x0] =	sbarrier.arrive $0xFFFF  }
0x3a: {  	p0 =	sne.s32 s1, $0x0;
	_ =	strace $0x90000047  }
0x3b: {  	s0 =	sadd.s32 @!p0 $0x100000, s0;
	[bflag:$0x2] =	sbarrier.arrive $0xFFFF  }
0x3c: {  	[sflag:s0] =	ssyncadd.tile.s32 @!p0 $0x1;
	_ =	shalt  }
.Lfunc_end2:
_tile_overlayer_lowered:
.L_overlay_start_2:
0x3d: {  	(tag) =	ssettag $0x2  }
0x3e: {  	s0 =	rddreg [dreg:$0x0];
	s2 =	stileid.u32  }
0x3f: {  	s1 =	rddreg [dreg:$0x1];
	p0 =	sne.s32 s2, $0x0  }
0x40: {  	s3 =	rddreg [dreg:$0x2];
	[bflag:$0x3] =	sbarrier.arrive $0xFFFF;
	s2 =	simm.s32 @!p0 $0x1C01  }
0x41: {  	[timem:s3], [sflag:s2] =	dma.local @!p0 [hbm:s0], s1  }
0x42: {  	s0 =	simm.s32 @!p0 $0x1  }
0x43: {  	_ =	swait.ge @!p0 [sflag:s0], s1  }
0x44: {  	s1 =	ssub.s32 @!p0 $0x0, s1;
	[sflag:s0] =	ssyncset.done @!p0 $0x0  }
0x45: {  	[sflag:s0] =	ssyncadd.s32 @!p0 s1  }
0x46: {  	[bflag:$0x3] =	sbarrier.arrive $0xFFFF  }
0x47: {  	_ =	shalt  }

</sc_bundles>
